<compile_context>
chip_gen: v7x
topology: tpu7x:2x2x1
jax: 0.10.2.dev20260603
libtpu: 0.0.44.dev20260713+nightly
codegen_flags: <defaults>
</compile_context>

<pallas_src>
import jax
import jax.numpy as jnp
from jax import lax
from jax.experimental import pallas as pl
from jax.experimental.pallas import tpu as pltpu
from jax.experimental.pallas import tpu_sc as plsc

_NC = 2
_NS = 16
_NW = _NC * _NS
_BLK = 128
_U = 4
_D = 16


def _make_sc_scatter(n_nodes_p, k_blocks, compute_deg):
    rpt = n_nodes_p // _NS
    hrows = n_nodes_p // 16
    mesh = plsc.VectorSubcoreMesh(
        core_axis_name="c", subcore_axis_name="s",
        num_cores=_NC, num_subcores=_NS)

    acc_t = jax.ShapeDtypeStruct((_NC, n_nodes_p, _D), jnp.float32)
    deg_t = jax.ShapeDtypeStruct((_NW, hrows, 16), jnp.float32)
    out_type = [acc_t, deg_t] if compute_deg else acc_t

    scratch_types = [
        pltpu.VMEM((k_blocks, _BLK), jnp.int32),
        pltpu.VMEM((k_blocks, _BLK), jnp.int32),
        pltpu.VMEM((_U, _BLK, _D), jnp.float32),
        pltpu.VMEM((hrows, 16), jnp.float32),
        pltpu.VMEM_SHARED((n_nodes_p, _D), jnp.float32),
        pltpu.VMEM_SHARED((n_nodes_p, _D), jnp.float32),
        pltpu.SemaphoreType.DMA((_U,)),
        pltpu.SemaphoreType.DMA((_U,)),
    ]

    def body(tbl, srcb, dstb, zeros, *refs):
        if compute_deg:
            out_acc, out_deg = refs[0], refs[1]
            rest = refs[2:]
        else:
            out_acc, out_deg = refs[0], None
            rest = refs[1:]
        src_v, dst_v, rows_v, hist_v, acc_sh, tbl_sh, sem, sem_s = rest

        cid = lax.axis_index("c")
        sid = lax.axis_index("s")
        wid = cid * _NS + sid

        pltpu.sync_copy(srcb.at[wid], src_v)
        pltpu.sync_copy(dstb.at[wid], dst_v)
        if compute_deg:
            pltpu.sync_copy(zeros.at[pl.ds(0, hrows)], hist_v)

        r0 = sid * rpt
        pltpu.sync_copy(zeros.at[pl.ds(r0, rpt)], acc_sh.at[pl.ds(r0, rpt)])
        pltpu.sync_copy(tbl.at[pl.ds(r0, rpt)], tbl_sh.at[pl.ds(r0, rpt)])
        plsc.subcore_barrier()

        one_v = jnp.ones((16,), jnp.float32)

        def step(g, carry):
            base = g * _U
            for u in range(_U):
                pltpu.async_copy(tbl_sh.at[src_v.at[base + u]],
                                 rows_v.at[u], sem.at[u])
            for u in range(_U):
                j = base + u
                pltpu.make_async_copy(zeros.at[pl.ds(0, _BLK)],
                                      rows_v.at[u], sem.at[u]).wait()
                pltpu.async_copy(rows_v.at[u], acc_sh.at[dst_v.at[j]],
                                 sem_s.at[u], add=True)
                if compute_deg:
                    for q in range(_BLK // 16):
                        d = dst_v[j, pl.ds(q * 16, 16)]
                        plsc.addupdate_scatter(
                            hist_v,
                            [lax.shift_right_logical(d, 4),
                             lax.bitwise_and(d, 15)],
                            one_v)
            for u in range(_U):
                pltpu.make_async_copy(rows_v.at[u],
                                      acc_sh.at[pl.ds(0, _BLK)],
                                      sem_s.at[u]).wait()
            return carry

        lax.fori_loop(0, k_blocks // _U, step, 0)
        plsc.subcore_barrier()

        pltpu.sync_copy(acc_sh.at[pl.ds(r0, rpt)],
                        out_acc.at[cid, pl.ds(r0, rpt)])
        if compute_deg:
            pltpu.sync_copy(hist_v, out_deg.at[wid])

    return pl.kernel(body, out_type=out_type, mesh=mesh,
                     scratch_types=scratch_types,
                     compiler_params=pltpu.CompilerParams(
                         use_tc_tiling_on_sc=False,
                         needs_layout_passes=False))


def _proj_body(x_ref, wl_ref, wr_ref, p_ref, q_ref):
    xb = x_ref[...]
    p_ref[...] = jnp.dot(xb, wl_ref[...], preferred_element_type=jnp.float32)
    q_ref[...] = jnp.dot(xb, wr_ref[...], preferred_element_type=jnp.float32)


def _h_body(acc_ref, dega_ref, q_ref, b_ref, h_ref, deg_ref):
    a = acc_ref[0] + acc_ref[1]
    dg = jnp.maximum(jnp.sum(dega_ref[...], axis=1), 1.0)[:, None]
    h_ref[...] = jnp.maximum(a / dg + q_ref[...] + b_ref[...], 0.0)
    deg_ref[...] = jnp.broadcast_to(dg, h_ref.shape)


def _out_body(acc_ref, deg_ref, h_ref, wl_ref, wr_ref, b_ref, o_ref):
    mean2 = (acc_ref[0] + acc_ref[1]) / deg_ref[...]
    z = (jnp.dot(mean2, wl_ref[...], preferred_element_type=jnp.float32)
         + jnp.dot(h_ref[...], wr_ref[...], preferred_element_type=jnp.float32)
         + b_ref[...])
    m = jnp.max(z, axis=1, keepdims=True)
    s = jnp.sum(jnp.exp(z - m), axis=1, keepdims=True)
    o_ref[...] = z - m - jnp.log(s)


def kernel(x, edge_index, W1_l, W1_r, b1, W2_l, W2_r, b2):
    n, d_feat = x.shape
    d_hid = W1_l.shape[1]
    n_cls = W2_l.shape[1]
    e = edge_index.shape[1]
    assert d_hid == _D

    src = edge_index[0].astype(jnp.int32)
    dst = edge_index[1].astype(jnp.int32)

    k_blocks = -(-(-(-e // (_NW * _BLK))) // _U) * _U
    e_pad = _NW * k_blocks * _BLK - e
    src_p = jnp.concatenate(
        [src, jnp.zeros((e_pad,), jnp.int32)]).reshape(_NW, k_blocks, _BLK)
    dst_p = jnp.concatenate(
        [dst, jnp.full((e_pad,), n, jnp.int32)]).reshape(_NW, k_blocks, _BLK)

    n_nodes_p = -(-(n + 1) // (_NS * 8)) * (_NS * 8)
    zeros = jnp.zeros((n_nodes_p, _D), jnp.float32)

    sc_scatter_deg = _make_sc_scatter(n_nodes_p, k_blocks, True)
    sc_scatter = _make_sc_scatter(n_nodes_p, k_blocks, False)

    rb = 1000
    grid = (n // rb,)

    p1, q1 = pl.pallas_call(
        _proj_body,
        grid=grid,
        in_specs=[
            pl.BlockSpec((rb, d_feat), lambda i: (i, 0)),
            pl.BlockSpec((d_feat, d_hid), lambda i: (0, 0)),
            pl.BlockSpec((d_feat, d_hid), lambda i: (0, 0)),
        ],
        out_specs=[pl.BlockSpec((rb, d_hid), lambda i: (i, 0))] * 2,
        out_shape=[jax.ShapeDtypeStruct((n, d_hid), jnp.float32)] * 2,
    )(x, W1_l, W1_r)

    tpad = jnp.zeros((n_nodes_p - n, d_hid), jnp.float32)
    acc1, degh = sc_scatter_deg(
        jnp.concatenate([p1, tpad]), src_p, dst_p, zeros)
    acc1 = acc1[:, :n, :]
    dega = degh.reshape(_NW, n_nodes_p)[:, :n].T

    h, deg = pl.pallas_call(
        _h_body,
        grid=grid,
        in_specs=[
            pl.BlockSpec((_NC, rb, d_hid), lambda i: (0, i, 0)),
            pl.BlockSpec((rb, _NW), lambda i: (i, 0)),
            pl.BlockSpec((rb, d_hid), lambda i: (i, 0)),
            pl.BlockSpec((1, d_hid), lambda i: (0, 0)),
        ],
        out_specs=[pl.BlockSpec((rb, d_hid), lambda i: (i, 0))] * 2,
        out_shape=[jax.ShapeDtypeStruct((n, d_hid), jnp.float32)] * 2,
    )(acc1, dega, q1, b1.reshape(1, d_hid))

    acc2 = sc_scatter(jnp.concatenate([h, tpad]), src_p, dst_p, zeros)
    acc2 = acc2[:, :n, :]

    out = pl.pallas_call(
        _out_body,
        grid=grid,
        in_specs=[
            pl.BlockSpec((_NC, rb, d_hid), lambda i: (0, i, 0)),
            pl.BlockSpec((rb, d_hid), lambda i: (i, 0)),
            pl.BlockSpec((rb, d_hid), lambda i: (i, 0)),
            pl.BlockSpec((d_hid, n_cls), lambda i: (0, 0)),
            pl.BlockSpec((d_hid, n_cls), lambda i: (0, 0)),
            pl.BlockSpec((1, n_cls), lambda i: (0, 0)),
        ],
        out_specs=pl.BlockSpec((rb, n_cls), lambda i: (i, 0)),
        out_shape=jax.ShapeDtypeStruct((n, n_cls), jnp.float32),
    )(acc2, deg, h, W2_l, W2_r, b2.reshape(1, n_cls))

    return out

# --- scband reference (transcript-rebuilt; emitter-appended) ---
"""Pipeline reference for scband-sagenet-40518721470745 (READ-ONLY COPY).

The authoritative reference and input builder live on the scoring server;
editing this copy changes nothing except your own understanding.
"""

import jax, jax.numpy as jnp
import numpy as np

N_NODES = 10000
N_EDGES = 320000
D_FEAT = 128
D_HID = 16
N_CLASSES = 40


def setup_inputs(seed: int = 0) -> dict:
    key = jax.random.key(seed)
    ks = jax.random.split(key, 8)
    x = jax.random.normal(ks[0], (N_NODES, D_FEAT), dtype=jnp.float32)
    edge_index = jax.random.randint(ks[1], (2, N_EDGES), 0, N_NODES, dtype=jnp.int64)
    s1 = 1.0 / np.sqrt(D_FEAT)
    s2 = 1.0 / np.sqrt(D_HID)
    W1_l = jax.random.uniform(ks[2], (D_FEAT, D_HID), jnp.float32, -s1, s1)
    W1_r = jax.random.uniform(ks[3], (D_FEAT, D_HID), jnp.float32, -s1, s1)
    b1 = jnp.zeros((D_HID,), jnp.float32)
    W2_l = jax.random.uniform(ks[4], (D_HID, N_CLASSES), jnp.float32, -s2, s2)
    W2_r = jax.random.uniform(ks[5], (D_HID, N_CLASSES), jnp.float32, -s2, s2)
    b2 = jnp.zeros((N_CLASSES,), jnp.float32)
    return {"x": x, "edge_index": edge_index, "W1_l": W1_l, "W1_r": W1_r,
            "b1": b1, "W2_l": W2_l, "W2_r": W2_r, "b2": b2}


def _sage_conv(x, src, dst, n_nodes, W_l, W_r, b):
    # gather messages from source nodes
    msg = jnp.take(x, src, axis=0)
    # scatter-add into destination nodes (mean aggregation)
    agg = jax.ops.segment_sum(msg, dst, num_segments=n_nodes)
    deg = jax.ops.segment_sum(jnp.ones((src.shape[0],), x.dtype), dst,
                              num_segments=n_nodes)
    mean = agg / jnp.clip(deg, 1.0, None)[:, None]
    return mean @ W_l + x @ W_r + b


def reference(x, edge_index, W1_l, W1_r, b1, W2_l, W2_r, b2):
    src = edge_index[0]
    dst = edge_index[1]
    n = x.shape[0]
    h = _sage_conv(x, src, dst, n, W1_l, W1_r, b1)
    h = jax.nn.relu(h)
    # dropout is identity in eval mode (self.training == False)
    out = _sage_conv(h, src, dst, n, W2_l, W2_r, b2)
    return jax.nn.log_softmax(out, axis=1)

if __name__ == "__main__":
    import jax
    _d = setup_inputs()
    print(jax.jit(kernel)(*tuple(_d.values())))

</pallas_src>

<mosaic_0001>
#map = affine_map<(d0, d1) -> (0, 0)>
#map1 = affine_map<(d0, d1) -> (0, 0, 0)>
module attributes {stable_mosaic.version = 14 : i64} {
  func.func @body(%arg0: i32, %arg1: i32, %arg2: memref<10112x16xf32, #tpu.memory_space<hbm>>, %arg3: memref<32x80x128xi32, #tpu.memory_space<hbm>>, %arg4: memref<32x80x128xi32, #tpu.memory_space<hbm>>, %arg5: memref<10112x16xf32, #tpu.memory_space<hbm>>, %arg6: memref<2x10112x16xf32, #tpu.memory_space<hbm>>, %arg7: memref<80x128xi32, #tpu.memory_space<vmem>>, %arg8: memref<80x128xi32, #tpu.memory_space<vmem>>, %arg9: memref<4x128x16xf32, #tpu.memory_space<vmem>>, %arg10: memref<632x16xf32, #tpu.memory_space<vmem>>, %arg11: memref<10112x16xf32, #tpu.memory_space<vmem_shared>>, %arg12: memref<10112x16xf32, #tpu.memory_space<vmem_shared>>, %arg13: memref<4x!tpu.dma_semaphore, #tpu.memory_space<semaphore_mem>>, %arg14: memref<4x!tpu.dma_semaphore, #tpu.memory_space<semaphore_mem>>) attributes {dimension_semantics = [#tpu.dimension_semantics<core_parallel>, #tpu.dimension_semantics<subcore_parallel>], iteration_bounds = array<i64: 2, 16>, scalar_prefetch = 0 : i64, scratch_operands = 8 : i64, tpu.core_type = #tpu.core_type<sc_vector_subcore>, window_params = [{transform_indices = #map}, {transform_indices = #map1}, {transform_indices = #map1}, {transform_indices = #map}, {transform_indices = #map1}]} {
    %mul3A = arith.constant 16 : i32
    %mul3A_0 = arith.muli %arg0, %mul3A : i32
    %add3A = arith.addi %mul3A_0, %arg1 : i32
    "tpu.region"() ({
      %run_scoped3A = tpu.sem_alloc : memref<!tpu.dma_semaphore, #tpu.memory_space<semaphore_mem>>
      %dma_start3A = arith.constant 0 : i32
      %dma_start3A_10 = arith.constant 0 : i32
      %dma_start3A_11 = tpu.memref_slice %arg3[%add3A, %dma_start3A, %dma_start3A_10] : memref<32x80x128xi32, #tpu.memory_space<hbm>> -> memref<1x80x128xi32, #tpu.memory_space<hbm>>
      %dma_start3A_12 = tpu.memref_squeeze %dma_start3A_11 : memref<1x80x128xi32, #tpu.memory_space<hbm>> -> memref<80x128xi32, #tpu.memory_space<hbm>>
      %dma_start3A_13 = arith.constant 0 : i32
      %dma_start3A_14 = arith.constant 0 : i32
      %dma_start3A_15 = tpu.memref_slice %arg3[%add3A, %dma_start3A_13, %dma_start3A_14] : memref<32x80x128xi32, #tpu.memory_space<hbm>> -> memref<1x80x128xi32, #tpu.memory_space<hbm>>
      %dma_start3A_16 = tpu.memref_squeeze %dma_start3A_15 : memref<1x80x128xi32, #tpu.memory_space<hbm>> -> memref<80x128xi32, #tpu.memory_space<hbm>>
      tpu.enqueue_dma source(%dma_start3A_16 : memref<80x128xi32, #tpu.memory_space<hbm>>) target(%arg7 : memref<80x128xi32, #tpu.memory_space<vmem>>) target_semaphore(%run_scoped3A : memref<!tpu.dma_semaphore, #tpu.memory_space<semaphore_mem>>)
      %dma_wait3A = arith.constant 0 : i32
      %dma_wait3A_17 = arith.constant 0 : i32
      %dma_wait3A_18 = tpu.memref_slice %arg3[%add3A, %dma_wait3A, %dma_wait3A_17] : memref<32x80x128xi32, #tpu.memory_space<hbm>> -> memref<1x80x128xi32, #tpu.memory_space<hbm>>
      %dma_wait3A_19 = tpu.memref_squeeze %dma_wait3A_18 : memref<1x80x128xi32, #tpu.memory_space<hbm>> -> memref<80x128xi32, #tpu.memory_space<hbm>>
      %dma_wait3A_20 = arith.constant 0 : i32
      %dma_wait3A_21 = arith.constant 0 : i32
      %dma_wait3A_22 = tpu.memref_slice %arg3[%add3A, %dma_wait3A_20, %dma_wait3A_21] : memref<32x80x128xi32, #tpu.memory_space<hbm>> -> memref<1x80x128xi32, #tpu.memory_space<hbm>>
      %dma_wait3A_23 = tpu.memref_squeeze %dma_wait3A_22 : memref<1x80x128xi32, #tpu.memory_space<hbm>> -> memref<80x128xi32, #tpu.memory_space<hbm>>
      tpu.wait_dma2 semaphore(%run_scoped3A : memref<!tpu.dma_semaphore, #tpu.memory_space<semaphore_mem>>) src(%dma_wait3A_23 : memref<80x128xi32, #tpu.memory_space<hbm>>) dst(%arg7 : memref<80x128xi32, #tpu.memory_space<vmem>>)
      tpu.yield
    }) : () -> ()
    "tpu.region"() ({
      %run_scoped3A = tpu.sem_alloc : memref<!tpu.dma_semaphore, #tpu.memory_space<semaphore_mem>>
      %dma_start3A = arith.constant 0 : i32
      %dma_start3A_10 = arith.constant 0 : i32
      %dma_start3A_11 = tpu.memref_slice %arg4[%add3A, %dma_start3A, %dma_start3A_10] : memref<32x80x128xi32, #tpu.memory_space<hbm>> -> memref<1x80x128xi32, #tpu.memory_space<hbm>>
      %dma_start3A_12 = tpu.memref_squeeze %dma_start3A_11 : memref<1x80x128xi32, #tpu.memory_space<hbm>> -> memref<80x128xi32, #tpu.memory_space<hbm>>
      %dma_start3A_13 = arith.constant 0 : i32
      %dma_start3A_14 = arith.constant 0 : i32
      %dma_start3A_15 = tpu.memref_slice %arg4[%add3A, %dma_start3A_13, %dma_start3A_14] : memref<32x80x128xi32, #tpu.memory_space<hbm>> -> memref<1x80x128xi32, #tpu.memory_space<hbm>>
      %dma_start3A_16 = tpu.memref_squeeze %dma_start3A_15 : memref<1x80x128xi32, #tpu.memory_space<hbm>> -> memref<80x128xi32, #tpu.memory_space<hbm>>
      tpu.enqueue_dma source(%dma_start3A_16 : memref<80x128xi32, #tpu.memory_space<hbm>>) target(%arg8 : memref<80x128xi32, #tpu.memory_space<vmem>>) target_semaphore(%run_scoped3A : memref<!tpu.dma_semaphore, #tpu.memory_space<semaphore_mem>>)
      %dma_wait3A = arith.constant 0 : i32
      %dma_wait3A_17 = arith.constant 0 : i32
      %dma_wait3A_18 = tpu.memref_slice %arg4[%add3A, %dma_wait3A, %dma_wait3A_17] : memref<32x80x128xi32, #tpu.memory_space<hbm>> -> memref<1x80x128xi32, #tpu.memory_space<hbm>>
      %dma_wait3A_19 = tpu.memref_squeeze %dma_wait3A_18 : memref<1x80x128xi32, #tpu.memory_space<hbm>> -> memref<80x128xi32, #tpu.memory_space<hbm>>
      %dma_wait3A_20 = arith.constant 0 : i32
      %dma_wait3A_21 = arith.constant 0 : i32
      %dma_wait3A_22 = tpu.memref_slice %arg4[%add3A, %dma_wait3A_20, %dma_wait3A_21] : memref<32x80x128xi32, #tpu.memory_space<hbm>> -> memref<1x80x128xi32, #tpu.memory_space<hbm>>
      %dma_wait3A_23 = tpu.memref_squeeze %dma_wait3A_22 : memref<1x80x128xi32, #tpu.memory_space<hbm>> -> memref<80x128xi32, #tpu.memory_space<hbm>>
      tpu.wait_dma2 semaphore(%run_scoped3A : memref<!tpu.dma_semaphore, #tpu.memory_space<semaphore_mem>>) src(%dma_wait3A_23 : memref<80x128xi32, #tpu.memory_space<hbm>>) dst(%arg8 : memref<80x128xi32, #tpu.memory_space<vmem>>)
      tpu.yield
    }) : () -> ()
    %mul3A_1 = arith.constant 632 : i32
    %mul3A_2 = arith.muli %arg1, %mul3A_1 : i32
    "tpu.region"() ({
      %run_scoped3A = tpu.sem_alloc : memref<!tpu.dma_semaphore, #tpu.memory_space<semaphore_mem>>
      %dma_start3A = arith.constant 0 : i32
      %dma_start3A_10 = tpu.memref_slice %arg11[%mul3A_2, %dma_start3A] : memref<10112x16xf32, #tpu.memory_space<vmem_shared>> -> memref<632x16xf32, #tpu.memory_space<vmem_shared>>
      %dma_start3A_11 = arith.constant 0 : i32
      %dma_start3A_12 = tpu.memref_slice %arg5[%mul3A_2, %dma_start3A_11] : memref<10112x16xf32, #tpu.memory_space<hbm>> -> memref<632x16xf32, #tpu.memory_space<hbm>>
      tpu.enqueue_dma source(%dma_start3A_12 : memref<632x16xf32, #tpu.memory_space<hbm>>) target(%dma_start3A_10 : memref<632x16xf32, #tpu.memory_space<vmem_shared>>) target_semaphore(%run_scoped3A : memref<!tpu.dma_semaphore, #tpu.memory_space<semaphore_mem>>)
      %dma_wait3A = arith.constant 0 : i32
      %dma_wait3A_13 = tpu.memref_slice %arg11[%mul3A_2, %dma_wait3A] : memref<10112x16xf32, #tpu.memory_space<vmem_shared>> -> memref<632x16xf32, #tpu.memory_space<vmem_shared>>
      %dma_wait3A_14 = arith.constant 0 : i32
      %dma_wait3A_15 = tpu.memref_slice %arg5[%mul3A_2, %dma_wait3A_14] : memref<10112x16xf32, #tpu.memory_space<hbm>> -> memref<632x16xf32, #tpu.memory_space<hbm>>
      tpu.wait_dma2 semaphore(%run_scoped3A : memref<!tpu.dma_semaphore, #tpu.memory_space<semaphore_mem>>) src(%dma_wait3A_15 : memref<632x16xf32, #tpu.memory_space<hbm>>) dst(%dma_wait3A_13 : memref<632x16xf32, #tpu.memory_space<vmem_shared>>)
      tpu.yield
    }) : () -> ()
    "tpu.region"() ({
      %run_scoped3A = tpu.sem_alloc : memref<!tpu.dma_semaphore, #tpu.memory_space<semaphore_mem>>
      %dma_start3A = arith.constant 0 : i32
      %dma_start3A_10 = tpu.memref_slice %arg12[%mul3A_2, %dma_start3A] : memref<10112x16xf32, #tpu.memory_space<vmem_shared>> -> memref<632x16xf32, #tpu.memory_space<vmem_shared>>
      %dma_start3A_11 = arith.constant 0 : i32
      %dma_start3A_12 = tpu.memref_slice %arg2[%mul3A_2, %dma_start3A_11] : memref<10112x16xf32, #tpu.memory_space<hbm>> -> memref<632x16xf32, #tpu.memory_space<hbm>>
      tpu.enqueue_dma source(%dma_start3A_12 : memref<632x16xf32, #tpu.memory_space<hbm>>) target(%dma_start3A_10 : memref<632x16xf32, #tpu.memory_space<vmem_shared>>) target_semaphore(%run_scoped3A : memref<!tpu.dma_semaphore, #tpu.memory_space<semaphore_mem>>)
      %dma_wait3A = arith.constant 0 : i32
      %dma_wait3A_13 = tpu.memref_slice %arg12[%mul3A_2, %dma_wait3A] : memref<10112x16xf32, #tpu.memory_space<vmem_shared>> -> memref<632x16xf32, #tpu.memory_space<vmem_shared>>
      %dma_wait3A_14 = arith.constant 0 : i32
      %dma_wait3A_15 = tpu.memref_slice %arg2[%mul3A_2, %dma_wait3A_14] : memref<10112x16xf32, #tpu.memory_space<hbm>> -> memref<632x16xf32, #tpu.memory_space<hbm>>
      tpu.wait_dma2 semaphore(%run_scoped3A : memref<!tpu.dma_semaphore, #tpu.memory_space<semaphore_mem>>) src(%dma_wait3A_15 : memref<632x16xf32, #tpu.memory_space<hbm>>) dst(%dma_wait3A_13 : memref<632x16xf32, #tpu.memory_space<vmem_shared>>)
      tpu.yield
    }) : () -> ()
    %barrier3A = arith.constant 0 : index
    tpu.barrier barrier_id(%barrier3A)
    %broadcast_in_dim3A = arith.constant 1.000000e+00 : f32
    %broadcast_in_dim3A_3 = vector.broadcast %broadcast_in_dim3A : f32 to vector<16xf32>
    %scan3A = arith.constant 0 : i32
    %scan3A_4 = arith.constant 0 : i32
    %scan3A_5 = arith.constant 20 : i32
    %scan3A_6 = arith.addi %scan3A_4, %scan3A_5 : i32
    %scan3A_7 = arith.constant 1 : i32
    scf.for %scan3A_10 = %scan3A_4 to %scan3A_6 step %scan3A_7  : i32 {
      %mul3A_11 = arith.constant 4 : i32
      %mul3A_12 = arith.muli %scan3A_10, %mul3A_11 : i32
      %add3A_13 = arith.constant 0 : i32
      %add3A_14 = arith.addi %mul3A_12, %add3A_13 : i32
      %dma_start3A = arith.constant 0 : i32
      %dma_start3A_15 = arith.constant 0 : i32
      %dma_start3A_16 = arith.constant 0 : i32
      %dma_start3A_17 = arith.constant 0 : i32
      %dma_start3A_18 = tpu.memref_slice %arg9[%dma_start3A, %dma_start3A_16, %dma_start3A_17] : memref<4x128x16xf32, #tpu.memory_space<vmem>> -> memref<1x128x16xf32, #tpu.memory_space<vmem>>
      %dma_start3A_19 = tpu.memref_squeeze %dma_start3A_18 : memref<1x128x16xf32, #tpu.memory_space<vmem>> -> memref<128x16xf32, #tpu.memory_space<vmem>>
      %dma_start3A_20 = arith.constant 0 : i32
      %dma_start3A_21 = tpu.memref_slice %arg7[%add3A_14, %dma_start3A_20] : memref<80x128xi32, #tpu.memory_space<vmem>> -> memref<1x128xi32, #tpu.memory_space<vmem>>
      %dma_start3A_22 = tpu.memref_squeeze %dma_start3A_21 : memref<1x128xi32, #tpu.memory_space<vmem>> -> memref<128xi32, #tpu.memory_space<vmem>>
      %dma_start3A_23 = arith.constant 0 : i32
      %dma_start3A_24 = arith.constant 0 : i32
      %dma_start3A_25 = tpu.memref_slice %arg12[%dma_start3A_23, %dma_start3A_24] : memref<10112x16xf32, #tpu.memory_space<vmem_shared>> -> memref<10112x16xf32, #tpu.memory_space<vmem_shared>>
      %dma_start3A_26 = tpu.memref_slice %arg13[%dma_start3A_15] : memref<4x!tpu.dma_semaphore, #tpu.memory_space<semaphore_mem>> -> memref<1x!tpu.dma_semaphore, #tpu.memory_space<semaphore_mem>>
      %dma_start3A_27 = tpu.memref_squeeze %dma_start3A_26 : memref<1x!tpu.dma_semaphore, #tpu.memory_space<semaphore_mem>> -> memref<!tpu.dma_semaphore, #tpu.memory_space<semaphore_mem>>
      tpu.enqueue_indirect_dma source(%dma_start3A_25 : memref<10112x16xf32, #tpu.memory_space<vmem_shared>>) target(%dma_start3A_19 : memref<128x16xf32, #tpu.memory_space<vmem>>) offsets(%dma_start3A_22 : memref<128xi32, #tpu.memory_space<vmem>>) semaphore(%dma_start3A_27 : memref<!tpu.dma_semaphore, #tpu.memory_space<semaphore_mem>>)
      %add3A_28 = arith.constant 1 : i32
      %add3A_29 = arith.addi %mul3A_12, %add3A_28 : i32
      %dma_start3A_30 = arith.constant 1 : i32
      %dma_start3A_31 = arith.constant 1 : i32
      %dma_start3A_32 = arith.constant 0 : i32
      %dma_start3A_33 = arith.constant 0 : i32
      %dma_start3A_34 = tpu.memref_slice %arg9[%dma_start3A_30, %dma_start3A_32, %dma_start3A_33] : memref<4x128x16xf32, #tpu.memory_space<vmem>> -> memref<1x128x16xf32, #tpu.memory_space<vmem>>
      %dma_start3A_35 = tpu.memref_squeeze %dma_start3A_34 : memref<1x128x16xf32, #tpu.memory_space<vmem>> -> memref<128x16xf32, #tpu.memory_space<vmem>>
      %dma_start3A_36 = arith.constant 0 : i32
      %dma_start3A_37 = tpu.memref_slice %arg7[%add3A_29, %dma_start3A_36] : memref<80x128xi32, #tpu.memory_space<vmem>> -> memref<1x128xi32, #tpu.memory_space<vmem>>
      %dma_start3A_38 = tpu.memref_squeeze %dma_start3A_37 : memref<1x128xi32, #tpu.memory_space<vmem>> -> memref<128xi32, #tpu.memory_space<vmem>>
      %dma_start3A_39 = arith.constant 0 : i32
      %dma_start3A_40 = arith.constant 0 : i32
      %dma_start3A_41 = tpu.memref_slice %arg12[%dma_start3A_39, %dma_start3A_40] : memref<10112x16xf32, #tpu.memory_space<vmem_shared>> -> memref<10112x16xf32, #tpu.memory_space<vmem_shared>>
      %dma_start3A_42 = tpu.memref_slice %arg13[%dma_start3A_31] : memref<4x!tpu.dma_semaphore, #tpu.memory_space<semaphore_mem>> -> memref<1x!tpu.dma_semaphore, #tpu.memory_space<semaphore_mem>>
      %dma_start3A_43 = tpu.memref_squeeze %dma_start3A_42 : memref<1x!tpu.dma_semaphore, #tpu.memory_space<semaphore_mem>> -> memref<!tpu.dma_semaphore, #tpu.memory_space<semaphore_mem>>
      tpu.enqueue_indirect_dma source(%dma_start3A_41 : memref<10112x16xf32, #tpu.memory_space<vmem_shared>>) target(%dma_start3A_35 : memref<128x16xf32, #tpu.memory_space<vmem>>) offsets(%dma_start3A_38 : memref<128xi32, #tpu.memory_space<vmem>>) semaphore(%dma_start3A_43 : memref<!tpu.dma_semaphore, #tpu.memory_space<semaphore_mem>>)
      %add3A_44 = arith.constant 2 : i32
      %add3A_45 = arith.addi %mul3A_12, %add3A_44 : i32
      %dma_start3A_46 = arith.constant 2 : i32
      %dma_start3A_47 = arith.constant 2 : i32
      %dma_start3A_48 = arith.constant 0 : i32
      %dma_start3A_49 = arith.constant 0 : i32
      %dma_start3A_50 = tpu.memref_slice %arg9[%dma_start3A_46, %dma_start3A_48, %dma_start3A_49] : memref<4x128x16xf32, #tpu.memory_space<vmem>> -> memref<1x128x16xf32, #tpu.memory_space<vmem>>
      %dma_start3A_51 = tpu.memref_squeeze %dma_start3A_50 : memref<1x128x16xf32, #tpu.memory_space<vmem>> -> memref<128x16xf32, #tpu.memory_space<vmem>>
      %dma_start3A_52 = arith.constant 0 : i32
      %dma_start3A_53 = tpu.memref_slice %arg7[%add3A_45, %dma_start3A_52] : memref<80x128xi32, #tpu.memory_space<vmem>> -> memref<1x128xi32, #tpu.memory_space<vmem>>
      %dma_start3A_54 = tpu.memref_squeeze %dma_start3A_53 : memref<1x128xi32, #tpu.memory_space<vmem>> -> memref<128xi32, #tpu.memory_space<vmem>>
      %dma_start3A_55 = arith.constant 0 : i32
      %dma_start3A_56 = arith.constant 0 : i32
      %dma_start3A_57 = tpu.memref_slice %arg12[%dma_start3A_55, %dma_start3A_56] : memref<10112x16xf32, #tpu.memory_space<vmem_shared>> -> memref<10112x16xf32, #tpu.memory_space<vmem_shared>>
      %dma_start3A_58 = tpu.memref_slice %arg13[%dma_start3A_47] : memref<4x!tpu.dma_semaphore, #tpu.memory_space<semaphore_mem>> -> memref<1x!tpu.dma_semaphore, #tpu.memory_space<semaphore_mem>>
      %dma_start3A_59 = tpu.memref_squeeze %dma_start3A_58 : memref<1x!tpu.dma_semaphore, #tpu.memory_space<semaphore_mem>> -> memref<!tpu.dma_semaphore, #tpu.memory_space<semaphore_mem>>
      tpu.enqueue_indirect_dma source(%dma_start3A_57 : memref<10112x16xf32, #tpu.memory_space<vmem_shared>>) target(%dma_start3A_51 : memref<128x16xf32, #tpu.memory_space<vmem>>) offsets(%dma_start3A_54 : memref<128xi32, #tpu.memory_space<vmem>>) semaphore(%dma_start3A_59 : memref<!tpu.dma_semaphore, #tpu.memory_space<semaphore_mem>>)
      %add3A_60 = arith.constant 3 : i32
      %add3A_61 = arith.addi %mul3A_12, %add3A_60 : i32
      %dma_start3A_62 = arith.constant 3 : i32
      %dma_start3A_63 = arith.constant 3 : i32
      %dma_start3A_64 = arith.constant 0 : i32
      %dma_start3A_65 = arith.constant 0 : i32
      %dma_start3A_66 = tpu.memref_slice %arg9[%dma_start3A_62, %dma_start3A_64, %dma_start3A_65] : memref<4x128x16xf32, #tpu.memory_space<vmem>> -> memref<1x128x16xf32, #tpu.memory_space<vmem>>
      %dma_start3A_67 = tpu.memref_squeeze %dma_start3A_66 : memref<1x128x16xf32, #tpu.memory_space<vmem>> -> memref<128x16xf32, #tpu.memory_space<vmem>>
      %dma_start3A_68 = arith.constant 0 : i32
      %dma_start3A_69 = tpu.memref_slice %arg7[%add3A_61, %dma_start3A_68] : memref<80x128xi32, #tpu.memory_space<vmem>> -> memref<1x128xi32, #tpu.memory_space<vmem>>
      %dma_start3A_70 = tpu.memref_squeeze %dma_start3A_69 : memref<1x128xi32, #tpu.memory_space<vmem>> -> memref<128xi32, #tpu.memory_space<vmem>>
      %dma_start3A_71 = arith.constant 0 : i32
      %dma_start3A_72 = arith.constant 0 : i32
      %dma_start3A_73 = tpu.memref_slice %arg12[%dma_start3A_71, %dma_start3A_72] : memref<10112x16xf32, #tpu.memory_space<vmem_shared>> -> memref<10112x16xf32, #tpu.memory_space<vmem_shared>>
      %dma_start3A_74 = tpu.memref_slice %arg13[%dma_start3A_63] : memref<4x!tpu.dma_semaphore, #tpu.memory_space<semaphore_mem>> -> memref<1x!tpu.dma_semaphore, #tpu.memory_space<semaphore_mem>>
      %dma_start3A_75 = tpu.memref_squeeze %dma_start3A_74 : memref<1x!tpu.dma_semaphore, #tpu.memory_space<semaphore_mem>> -> memref<!tpu.dma_semaphore, #tpu.memory_space<semaphore_mem>>
      tpu.enqueue_indirect_dma source(%dma_start3A_73 : memref<10112x16xf32, #tpu.memory_space<vmem_shared>>) target(%dma_start3A_67 : memref<128x16xf32, #tpu.memory_space<vmem>>) offsets(%dma_start3A_70 : memref<128xi32, #tpu.memory_space<vmem>>) semaphore(%dma_start3A_75 : memref<!tpu.dma_semaphore, #tpu.memory_space<semaphore_mem>>)
      %add3A_76 = arith.constant 0 : i32
      %add3A_77 = arith.addi %mul3A_12, %add3A_76 : i32
      %dma_wait3A = arith.constant 0 : i32
      %dma_wait3A_78 = arith.constant 0 : i32
      %dma_wait3A_79 = arith.constant 0 : i32
      %dma_wait3A_80 = arith.constant 0 : i32
      %dma_wait3A_81 = tpu.memref_slice %arg9[%dma_wait3A, %dma_wait3A_79, %dma_wait3A_80] : memref<4x128x16xf32, #tpu.memory_space<vmem>> -> memref<1x128x16xf32, #tpu.memory_space<vmem>>
      %dma_wait3A_82 = tpu.memref_squeeze %dma_wait3A_81 : memref<1x128x16xf32, #tpu.memory_space<vmem>> -> memref<128x16xf32, #tpu.memory_space<vmem>>
      %dma_wait3A_83 = arith.constant 0 : i32
      %dma_wait3A_84 = arith.constant 0 : i32
      %dma_wait3A_85 = tpu.memref_slice %arg5[%dma_wait3A_83, %dma_wait3A_84] : memref<10112x16xf32, #tpu.memory_space<hbm>> -> memref<128x16xf32, #tpu.memory_space<hbm>>
      %dma_wait3A_86 = tpu.memref_slice %arg13[%dma_wait3A_78] : memref<4x!tpu.dma_semaphore, #tpu.memory_space<semaphore_mem>> -> memref<1x!tpu.dma_semaphore, #tpu.memory_space<semaphore_mem>>
      %dma_wait3A_87 = tpu.memref_squeeze %dma_wait3A_86 : memref<1x!tpu.dma_semaphore, #tpu.memory_space<semaphore_mem>> -> memref<!tpu.dma_semaphore, #tpu.memory_space<semaphore_mem>>
      %dma_wait3A_88 = arith.constant 0 : i32
      %dma_wait3A_89 = arith.constant 0 : i32
      %dma_wait3A_90 = tpu.memref_slice %arg9[%dma_wait3A, %dma_wait3A_88, %dma_wait3A_89] : memref<4x128x16xf32, #tpu.memory_space<vmem>> -> memref<1x128x16xf32, #tpu.memory_space<vmem>>
      %dma_wait3A_91 = tpu.memref_squeeze %dma_wait3A_90 : memref<1x128x16xf32, #tpu.memory_space<vmem>> -> memref<128x16xf32, #tpu.memory_space<vmem>>
      %dma_wait3A_92 = arith.constant 0 : i32
      %dma_wait3A_93 = arith.constant 0 : i32
      %dma_wait3A_94 = tpu.memref_slice %arg5[%dma_wait3A_92, %dma_wait3A_93] : memref<10112x16xf32, #tpu.memory_space<hbm>> -> memref<128x16xf32, #tpu.memory_space<hbm>>
      tpu.wait_dma2 semaphore(%dma_wait3A_87 : memref<!tpu.dma_semaphore, #tpu.memory_space<semaphore_mem>>) src(%dma_wait3A_94 : memref<128x16xf32, #tpu.memory_space<hbm>>) dst(%dma_wait3A_91 : memref<128x16xf32, #tpu.memory_space<vmem>>)
      %dma_start3A_95 = arith.constant 0 : i32
      %dma_start3A_96 = arith.constant 0 : i32
      %dma_start3A_97 = arith.constant 0 : i32
      %dma_start3A_98 = arith.constant 0 : i32
      %dma_start3A_99 = tpu.memref_slice %arg9[%dma_start3A_95, %dma_start3A_97, %dma_start3A_98] : memref<4x128x16xf32, #tpu.memory_space<vmem>> -> memref<1x128x16xf32, #tpu.memory_space<vmem>>
      %dma_start3A_100 = tpu.memref_squeeze %dma_start3A_99 : memref<1x128x16xf32, #tpu.memory_space<vmem>> -> memref<128x16xf32, #tpu.memory_space<vmem>>
      %dma_start3A_101 = arith.constant 0 : i32
      %dma_start3A_102 = tpu.memref_slice %arg8[%add3A_77, %dma_start3A_101] : memref<80x128xi32, #tpu.memory_space<vmem>> -> memref<1x128xi32, #tpu.memory_space<vmem>>
      %dma_start3A_103 = tpu.memref_squeeze %dma_start3A_102 : memref<1x128xi32, #tpu.memory_space<vmem>> -> memref<128xi32, #tpu.memory_space<vmem>>
      %dma_start3A_104 = arith.constant 0 : i32
      %dma_start3A_105 = arith.constant 0 : i32
      %dma_start3A_106 = tpu.memref_slice %arg11[%dma_start3A_104, %dma_start3A_105] : memref<10112x16xf32, #tpu.memory_space<vmem_shared>> -> memref<10112x16xf32, #tpu.memory_space<vmem_shared>>
      %dma_start3A_107 = tpu.memref_slice %arg14[%dma_start3A_96] : memref<4x!tpu.dma_semaphore, #tpu.memory_space<semaphore_mem>> -> memref<1x!tpu.dma_semaphore, #tpu.memory_space<semaphore_mem>>
      %dma_start3A_108 = tpu.memref_squeeze %dma_start3A_107 : memref<1x!tpu.dma_semaphore, #tpu.memory_space<semaphore_mem>> -> memref<!tpu.dma_semaphore, #tpu.memory_space<semaphore_mem>>
      tpu.enqueue_indirect_dma source(%dma_start3A_100 : memref<128x16xf32, #tpu.memory_space<vmem>>) target(%dma_start3A_106 : memref<10112x16xf32, #tpu.memory_space<vmem_shared>>) offsets(%dma_start3A_103 : memref<128xi32, #tpu.memory_space<vmem>>) semaphore(%dma_start3A_108 : memref<!tpu.dma_semaphore, #tpu.memory_space<semaphore_mem>>) {add = true}
      %add3A_109 = arith.constant 1 : i32
      %add3A_110 = arith.addi %mul3A_12, %add3A_109 : i32
      %dma_wait3A_111 = arith.constant 1 : i32
      %dma_wait3A_112 = arith.constant 1 : i32
      %dma_wait3A_113 = arith.constant 0 : i32
      %dma_wait3A_114 = arith.constant 0 : i32
      %dma_wait3A_115 = tpu.memref_slice %arg9[%dma_wait3A_111, %dma_wait3A_113, %dma_wait3A_114] : memref<4x128x16xf32, #tpu.memory_space<vmem>> -> memref<1x128x16xf32, #tpu.memory_space<vmem>>
      %dma_wait3A_116 = tpu.memref_squeeze %dma_wait3A_115 : memref<1x128x16xf32, #tpu.memory_space<vmem>> -> memref<128x16xf32, #tpu.memory_space<vmem>>
      %dma_wait3A_117 = arith.constant 0 : i32
      %dma_wait3A_118 = arith.constant 0 : i32
      %dma_wait3A_119 = tpu.memref_slice %arg5[%dma_wait3A_117, %dma_wait3A_118] : memref<10112x16xf32, #tpu.memory_space<hbm>> -> memref<128x16xf32, #tpu.memory_space<hbm>>
      %dma_wait3A_120 = tpu.memref_slice %arg13[%dma_wait3A_112] : memref<4x!tpu.dma_semaphore, #tpu.memory_space<semaphore_mem>> -> memref<1x!tpu.dma_semaphore, #tpu.memory_space<semaphore_mem>>
      %dma_wait3A_121 = tpu.memref_squeeze %dma_wait3A_120 : memref<1x!tpu.dma_semaphore, #tpu.memory_space<semaphore_mem>> -> memref<!tpu.dma_semaphore, #tpu.memory_space<semaphore_mem>>
      %dma_wait3A_122 = arith.constant 0 : i32
      %dma_wait3A_123 = arith.constant 0 : i32
      %dma_wait3A_124 = tpu.memref_slice %arg9[%dma_wait3A_111, %dma_wait3A_122, %dma_wait3A_123] : memref<4x128x16xf32, #tpu.memory_space<vmem>> -> memref<1x128x16xf32, #tpu.memory_space<vmem>>
      %dma_wait3A_125 = tpu.memref_squeeze %dma_wait3A_124 : memref<1x128x16xf32, #tpu.memory_space<vmem>> -> memref<128x16xf32, #tpu.memory_space<vmem>>
      %dma_wait3A_126 = arith.constant 0 : i32
      %dma_wait3A_127 = arith.constant 0 : i32
      %dma_wait3A_128 = tpu.memref_slice %arg5[%dma_wait3A_126, %dma_wait3A_127] : memref<10112x16xf32, #tpu.memory_space<hbm>> -> memref<128x16xf32, #tpu.memory_space<hbm>>
      tpu.wait_dma2 semaphore(%dma_wait3A_121 : memref<!tpu.dma_semaphore, #tpu.memory_space<semaphore_mem>>) src(%dma_wait3A_128 : memref<128x16xf32, #tpu.memory_space<hbm>>) dst(%dma_wait3A_125 : memref<128x16xf32, #tpu.memory_space<vmem>>)
      %dma_start3A_129 = arith.constant 1 : i32
      %dma_start3A_130 = arith.constant 1 : i32
      %dma_start3A_131 = arith.constant 0 : i32
      %dma_start3A_132 = arith.constant 0 : i32
      %dma_start3A_133 = tpu.memref_slice %arg9[%dma_start3A_129, %dma_start3A_131, %dma_start3A_132] : memref<4x128x16xf32, #tpu.memory_space<vmem>> -> memref<1x128x16xf32, #tpu.memory_space<vmem>>
      %dma_start3A_134 = tpu.memref_squeeze %dma_start3A_133 : memref<1x128x16xf32, #tpu.memory_space<vmem>> -> memref<128x16xf32, #tpu.memory_space<vmem>>
      %dma_start3A_135 = arith.constant 0 : i32
      %dma_start3A_136 = tpu.memref_slice %arg8[%add3A_110, %dma_start3A_135] : memref<80x128xi32, #tpu.memory_space<vmem>> -> memref<1x128xi32, #tpu.memory_space<vmem>>
      %dma_start3A_137 = tpu.memref_squeeze %dma_start3A_136 : memref<1x128xi32, #tpu.memory_space<vmem>> -> memref<128xi32, #tpu.memory_space<vmem>>
      %dma_start3A_138 = arith.constant 0 : i32
      %dma_start3A_139 = arith.constant 0 : i32
      %dma_start3A_140 = tpu.memref_slice %arg11[%dma_start3A_138, %dma_start3A_139] : memref<10112x16xf32, #tpu.memory_space<vmem_shared>> -> memref<10112x16xf32, #tpu.memory_space<vmem_shared>>
      %dma_start3A_141 = tpu.memref_slice %arg14[%dma_start3A_130] : memref<4x!tpu.dma_semaphore, #tpu.memory_space<semaphore_mem>> -> memref<1x!tpu.dma_semaphore, #tpu.memory_space<semaphore_mem>>
      %dma_start3A_142 = tpu.memref_squeeze %dma_start3A_141 : memref<1x!tpu.dma_semaphore, #tpu.memory_space<semaphore_mem>> -> memref<!tpu.dma_semaphore, #tpu.memory_space<semaphore_mem>>
      tpu.enqueue_indirect_dma source(%dma_start3A_134 : memref<128x16xf32, #tpu.memory_space<vmem>>) target(%dma_start3A_140 : memref<10112x16xf32, #tpu.memory_space<vmem_shared>>) offsets(%dma_start3A_137 : memref<128xi32, #tpu.memory_space<vmem>>) semaphore(%dma_start3A_142 : memref<!tpu.dma_semaphore, #tpu.memory_space<semaphore_mem>>) {add = true}
      %add3A_143 = arith.constant 2 : i32
      %add3A_144 = arith.addi %mul3A_12, %add3A_143 : i32
      %dma_wait3A_145 = arith.constant 2 : i32
      %dma_wait3A_146 = arith.constant 2 : i32
      %dma_wait3A_147 = arith.constant 0 : i32
      %dma_wait3A_148 = arith.constant 0 : i32
      %dma_wait3A_149 = tpu.memref_slice %arg9[%dma_wait3A_145, %dma_wait3A_147, %dma_wait3A_148] : memref<4x128x16xf32, #tpu.memory_space<vmem>> -> memref<1x128x16xf32, #tpu.memory_space<vmem>>
      %dma_wait3A_150 = tpu.memref_squeeze %dma_wait3A_149 : memref<1x128x16xf32, #tpu.memory_space<vmem>> -> memref<128x16xf32, #tpu.memory_space<vmem>>
      %dma_wait3A_151 = arith.constant 0 : i32
      %dma_wait3A_152 = arith.constant 0 : i32
      %dma_wait3A_153 = tpu.memref_slice %arg5[%dma_wait3A_151, %dma_wait3A_152] : memref<10112x16xf32, #tpu.memory_space<hbm>> -> memref<128x16xf32, #tpu.memory_space<hbm>>
      %dma_wait3A_154 = tpu.memref_slice %arg13[%dma_wait3A_146] : memref<4x!tpu.dma_semaphore, #tpu.memory_space<semaphore_mem>> -> memref<1x!tpu.dma_semaphore, #tpu.memory_space<semaphore_mem>>
      %dma_wait3A_155 = tpu.memref_squeeze %dma_wait3A_154 : memref<1x!tpu.dma_semaphore, #tpu.memory_space<semaphore_mem>> -> memref<!tpu.dma_semaphore, #tpu.memory_space<semaphore_mem>>
      %dma_wait3A_156 = arith.constant 0 : i32
      %dma_wait3A_157 = arith.constant 0 : i32
      %dma_wait3A_158 = tpu.memref_slice %arg9[%dma_wait3A_145, %dma_wait3A_156, %dma_wait3A_157] : memref<4x128x16xf32, #tpu.memory_space<vmem>> -> memref<1x128x16xf32, #tpu.memory_space<vmem>>
      %dma_wait3A_159 = tpu.memref_squeeze %dma_wait3A_158 : memref<1x128x16xf32, #tpu.memory_space<vmem>> -> memref<128x16xf32, #tpu.memory_space<vmem>>
      %dma_wait3A_160 = arith.constant 0 : i32
      %dma_wait3A_161 = arith.constant 0 : i32
      %dma_wait3A_162 = tpu.memref_slice %arg5[%dma_wait3A_160, %dma_wait3A_161] : memref<10112x16xf32, #tpu.memory_space<hbm>> -> memref<128x16xf32, #tpu.memory_space<hbm>>
      tpu.wait_dma2 semaphore(%dma_wait3A_155 : memref<!tpu.dma_semaphore, #tpu.memory_space<semaphore_mem>>) src(%dma_wait3A_162 : memref<128x16xf32, #tpu.memory_space<hbm>>) dst(%dma_wait3A_159 : memref<128x16xf32, #tpu.memory_space<vmem>>)
      %dma_start3A_163 = arith.constant 2 : i32
      %dma_start3A_164 = arith.constant 2 : i32
      %dma_start3A_165 = arith.constant 0 : i32
      %dma_start3A_166 = arith.constant 0 : i32
      %dma_start3A_167 = tpu.memref_slice %arg9[%dma_start3A_163, %dma_start3A_165, %dma_start3A_166] : memref<4x128x16xf32, #tpu.memory_space<vmem>> -> memref<1x128x16xf32, #tpu.memory_space<vmem>>
      %dma_start3A_168 = tpu.memref_squeeze %dma_start3A_167 : memref<1x128x16xf32, #tpu.memory_space<vmem>> -> memref<128x16xf32, #tpu.memory_space<vmem>>
      %dma_start3A_169 = arith.constant 0 : i32
      %dma_start3A_170 = tpu.memref_slice %arg8[%add3A_144, %dma_start3A_169] : memref<80x128xi32, #tpu.memory_space<vmem>> -> memref<1x128xi32, #tpu.memory_space<vmem>>
      %dma_start3A_171 = tpu.memref_squeeze %dma_start3A_170 : memref<1x128xi32, #tpu.memory_space<vmem>> -> memref<128xi32, #tpu.memory_space<vmem>>
      %dma_start3A_172 = arith.constant 0 : i32
      %dma_start3A_173 = arith.constant 0 : i32
      %dma_start3A_174 = tpu.memref_slice %arg11[%dma_start3A_172, %dma_start3A_173] : memref<10112x16xf32, #tpu.memory_space<vmem_shared>> -> memref<10112x16xf32, #tpu.memory_space<vmem_shared>>
      %dma_start3A_175 = tpu.memref_slice %arg14[%dma_start3A_164] : memref<4x!tpu.dma_semaphore, #tpu.memory_space<semaphore_mem>> -> memref<1x!tpu.dma_semaphore, #tpu.memory_space<semaphore_mem>>
      %dma_start3A_176 = tpu.memref_squeeze %dma_start3A_175 : memref<1x!tpu.dma_semaphore, #tpu.memory_space<semaphore_mem>> -> memref<!tpu.dma_semaphore, #tpu.memory_space<semaphore_mem>>
      tpu.enqueue_indirect_dma source(%dma_start3A_168 : memref<128x16xf32, #tpu.memory_space<vmem>>) target(%dma_start3A_174 : memref<10112x16xf32, #tpu.memory_space<vmem_shared>>) offsets(%dma_start3A_171 : memref<128xi32, #tpu.memory_space<vmem>>) semaphore(%dma_start3A_176 : memref<!tpu.dma_semaphore, #tpu.memory_space<semaphore_mem>>) {add = true}
      %add3A_177 = arith.constant 3 : i32
      %add3A_178 = arith.addi %mul3A_12, %add3A_177 : i32
      %dma_wait3A_179 = arith.constant 3 : i32
      %dma_wait3A_180 = arith.constant 3 : i32
      %dma_wait3A_181 = arith.constant 0 : i32
      %dma_wait3A_182 = arith.constant 0 : i32
      %dma_wait3A_183 = tpu.memref_slice %arg9[%dma_wait3A_179, %dma_wait3A_181, %dma_wait3A_182] : memref<4x128x16xf32, #tpu.memory_space<vmem>> -> memref<1x128x16xf32, #tpu.memory_space<vmem>>
      %dma_wait3A_184 = tpu.memref_squeeze %dma_wait3A_183 : memref<1x128x16xf32, #tpu.memory_space<vmem>> -> memref<128x16xf32, #tpu.memory_space<vmem>>
      %dma_wait3A_185 = arith.constant 0 : i32
      %dma_wait3A_186 = arith.constant 0 : i32
      %dma_wait3A_187 = tpu.memref_slice %arg5[%dma_wait3A_185, %dma_wait3A_186] : memref<10112x16xf32, #tpu.memory_space<hbm>> -> memref<128x16xf32, #tpu.memory_space<hbm>>
      %dma_wait3A_188 = tpu.memref_slice %arg13[%dma_wait3A_180] : memref<4x!tpu.dma_semaphore, #tpu.memory_space<semaphore_mem>> -> memref<1x!tpu.dma_semaphore, #tpu.memory_space<semaphore_mem>>
      %dma_wait3A_189 = tpu.memref_squeeze %dma_wait3A_188 : memref<1x!tpu.dma_semaphore, #tpu.memory_space<semaphore_mem>> -> memref<!tpu.dma_semaphore, #tpu.memory_space<semaphore_mem>>
      %dma_wait3A_190 = arith.constant 0 : i32
      %dma_wait3A_191 = arith.constant 0 : i32
      %dma_wait3A_192 = tpu.memref_slice %arg9[%dma_wait3A_179, %dma_wait3A_190, %dma_wait3A_191] : memref<4x128x16xf32, #tpu.memory_space<vmem>> -> memref<1x128x16xf32, #tpu.memory_space<vmem>>
      %dma_wait3A_193 = tpu.memref_squeeze %dma_wait3A_192 : memref<1x128x16xf32, #tpu.memory_space<vmem>> -> memref<128x16xf32, #tpu.memory_space<vmem>>
      %dma_wait3A_194 = arith.constant 0 : i32
      %dma_wait3A_195 = arith.constant 0 : i32
      %dma_wait3A_196 = tpu.memref_slice %arg5[%dma_wait3A_194, %dma_wait3A_195] : memref<10112x16xf32, #tpu.memory_space<hbm>> -> memref<128x16xf32, #tpu.memory_space<hbm>>
      tpu.wait_dma2 semaphore(%dma_wait3A_189 : memref<!tpu.dma_semaphore, #tpu.memory_space<semaphore_mem>>) src(%dma_wait3A_196 : memref<128x16xf32, #tpu.memory_space<hbm>>) dst(%dma_wait3A_193 : memref<128x16xf32, #tpu.memory_space<vmem>>)
      %dma_start3A_197 = arith.constant 3 : i32
      %dma_start3A_198 = arith.constant 3 : i32
      %dma_start3A_199 = arith.constant 0 : i32
      %dma_start3A_200 = arith.constant 0 : i32
      %dma_start3A_201 = tpu.memref_slice %arg9[%dma_start3A_197, %dma_start3A_199, %dma_start3A_200] : memref<4x128x16xf32, #tpu.memory_space<vmem>> -> memref<1x128x16xf32, #tpu.memory_space<vmem>>
      %dma_start3A_202 = tpu.memref_squeeze %dma_start3A_201 : memref<1x128x16xf32, #tpu.memory_space<vmem>> -> memref<128x16xf32, #tpu.memory_space<vmem>>
      %dma_start3A_203 = arith.constant 0 : i32
      %dma_start3A_204 = tpu.memref_slice %arg8[%add3A_178, %dma_start3A_203] : memref<80x128xi32, #tpu.memory_space<vmem>> -> memref<1x128xi32, #tpu.memory_space<vmem>>
      %dma_start3A_205 = tpu.memref_squeeze %dma_start3A_204 : memref<1x128xi32, #tpu.memory_space<vmem>> -> memref<128xi32, #tpu.memory_space<vmem>>
      %dma_start3A_206 = arith.constant 0 : i32
      %dma_start3A_207 = arith.constant 0 : i32
      %dma_start3A_208 = tpu.memref_slice %arg11[%dma_start3A_206, %dma_start3A_207] : memref<10112x16xf32, #tpu.memory_space<vmem_shared>> -> memref<10112x16xf32, #tpu.memory_space<vmem_shared>>
      %dma_start3A_209 = tpu.memref_slice %arg14[%dma_start3A_198] : memref<4x!tpu.dma_semaphore, #tpu.memory_space<semaphore_mem>> -> memref<1x!tpu.dma_semaphore, #tpu.memory_space<semaphore_mem>>
      %dma_start3A_210 = tpu.memref_squeeze %dma_start3A_209 : memref<1x!tpu.dma_semaphore, #tpu.memory_space<semaphore_mem>> -> memref<!tpu.dma_semaphore, #tpu.memory_space<semaphore_mem>>
      tpu.enqueue_indirect_dma source(%dma_start3A_202 : memref<128x16xf32, #tpu.memory_space<vmem>>) target(%dma_start3A_208 : memref<10112x16xf32, #tpu.memory_space<vmem_shared>>) offsets(%dma_start3A_205 : memref<128xi32, #tpu.memory_space<vmem>>) semaphore(%dma_start3A_210 : memref<!tpu.dma_semaphore, #tpu.memory_space<semaphore_mem>>) {add = true}
      %dma_wait3A_211 = arith.constant 0 : i32
      %dma_wait3A_212 = arith.constant 0 : i32
      %dma_wait3A_213 = arith.constant 0 : i32
      %dma_wait3A_214 = arith.constant 0 : i32
      %dma_wait3A_215 = tpu.memref_slice %arg9[%dma_wait3A_211, %dma_wait3A_213, %dma_wait3A_214] : memref<4x128x16xf32, #tpu.memory_space<vmem>> -> memref<1x128x16xf32, #tpu.memory_space<vmem>>
      %dma_wait3A_216 = tpu.memref_squeeze %dma_wait3A_215 : memref<1x128x16xf32, #tpu.memory_space<vmem>> -> memref<128x16xf32, #tpu.memory_space<vmem>>
      %dma_wait3A_217 = arith.constant 0 : i32
      %dma_wait3A_218 = arith.constant 0 : i32
      %dma_wait3A_219 = tpu.memref_slice %arg11[%dma_wait3A_217, %dma_wait3A_218] : memref<10112x16xf32, #tpu.memory_space<vmem_shared>> -> memref<128x16xf32, #tpu.memory_space<vmem_shared>>
      %dma_wait3A_220 = tpu.memref_slice %arg14[%dma_wait3A_212] : memref<4x!tpu.dma_semaphore, #tpu.memory_space<semaphore_mem>> -> memref<1x!tpu.dma_semaphore, #tpu.memory_space<semaphore_mem>>
      %dma_wait3A_221 = tpu.memref_squeeze %dma_wait3A_220 : memref<1x!tpu.dma_semaphore, #tpu.memory_space<semaphore_mem>> -> memref<!tpu.dma_semaphore, #tpu.memory_space<semaphore_mem>>
      %dma_wait3A_222 = arith.constant 0 : i32
      %dma_wait3A_223 = arith.constant 0 : i32
      %dma_wait3A_224 = tpu.memref_slice %arg11[%dma_wait3A_222, %dma_wait3A_223] : memref<10112x16xf32, #tpu.memory_space<vmem_shared>> -> memref<128x16xf32, #tpu.memory_space<vmem_shared>>
      %dma_wait3A_225 = arith.constant 0 : i32
      %dma_wait3A_226 = arith.constant 0 : i32
      %dma_wait3A_227 = tpu.memref_slice %arg9[%dma_wait3A_211, %dma_wait3A_225, %dma_wait3A_226] : memref<4x128x16xf32, #tpu.memory_space<vmem>> -> memref<1x128x16xf32, #tpu.memory_space<vmem>>
      %dma_wait3A_228 = tpu.memref_squeeze %dma_wait3A_227 : memref<1x128x16xf32, #tpu.memory_space<vmem>> -> memref<128x16xf32, #tpu.memory_space<vmem>>
      tpu.wait_dma2 semaphore(%dma_wait3A_221 : memref<!tpu.dma_semaphore, #tpu.memory_space<semaphore_mem>>) src(%dma_wait3A_228 : memref<128x16xf32, #tpu.memory_space<vmem>>) dst(%dma_wait3A_224 : memref<128x16xf32, #tpu.memory_space<vmem_shared>>)
      %dma_wait3A_229 = arith.constant 1 : i32
      %dma_wait3A_230 = arith.constant 1 : i32
      %dma_wait3A_231 = arith.constant 0 : i32
      %dma_wait3A_232 = arith.constant 0 : i32
      %dma_wait3A_233 = tpu.memref_slice %arg9[%dma_wait3A_229, %dma_wait3A_231, %dma_wait3A_232] : memref<4x128x16xf32, #tpu.memory_space<vmem>> -> memref<1x128x16xf32, #tpu.memory_space<vmem>>
      %dma_wait3A_234 = tpu.memref_squeeze %dma_wait3A_233 : memref<1x128x16xf32, #tpu.memory_space<vmem>> -> memref<128x16xf32, #tpu.memory_space<vmem>>
      %dma_wait3A_235 = arith.constant 0 : i32
      %dma_wait3A_236 = arith.constant 0 : i32
      %dma_wait3A_237 = tpu.memref_slice %arg11[%dma_wait3A_235, %dma_wait3A_236] : memref<10112x16xf32, #tpu.memory_space<vmem_shared>> -> memref<128x16xf32, #tpu.memory_space<vmem_shared>>
      %dma_wait3A_238 = tpu.memref_slice %arg14[%dma_wait3A_230] : memref<4x!tpu.dma_semaphore, #tpu.memory_space<semaphore_mem>> -> memref<1x!tpu.dma_semaphore, #tpu.memory_space<semaphore_mem>>
      %dma_wait3A_239 = tpu.memref_squeeze %dma_wait3A_238 : memref<1x!tpu.dma_semaphore, #tpu.memory_space<semaphore_mem>> -> memref<!tpu.dma_semaphore, #tpu.memory_space<semaphore_mem>>
      %dma_wait3A_240 = arith.constant 0 : i32
      %dma_wait3A_241 = arith.constant 0 : i32
      %dma_wait3A_242 = tpu.memref_slice %arg11[%dma_wait3A_240, %dma_wait3A_241] : memref<10112x16xf32, #tpu.memory_space<vmem_shared>> -> memref<128x16xf32, #tpu.memory_space<vmem_shared>>
      %dma_wait3A_243 = arith.constant 0 : i32
      %dma_wait3A_244 = arith.constant 0 : i32
      %dma_wait3A_245 = tpu.memref_slice %arg9[%dma_wait3A_229, %dma_wait3A_243, %dma_wait3A_244] : memref<4x128x16xf32, #tpu.memory_space<vmem>> -> memref<1x128x16xf32, #tpu.memory_space<vmem>>
      %dma_wait3A_246 = tpu.memref_squeeze %dma_wait3A_245 : memref<1x128x16xf32, #tpu.memory_space<vmem>> -> memref<128x16xf32, #tpu.memory_space<vmem>>
      tpu.wait_dma2 semaphore(%dma_wait3A_239 : memref<!tpu.dma_semaphore, #tpu.memory_space<semaphore_mem>>) src(%dma_wait3A_246 : memref<128x16xf32, #tpu.memory_space<vmem>>) dst(%dma_wait3A_242 : memref<128x16xf32, #tpu.memory_space<vmem_shared>>)
      %dma_wait3A_247 = arith.constant 2 : i32
      %dma_wait3A_248 = arith.constant 2 : i32
      %dma_wait3A_249 = arith.constant 0 : i32
      %dma_wait3A_250 = arith.constant 0 : i32
      %dma_wait3A_251 = tpu.memref_slice %arg9[%dma_wait3A_247, %dma_wait3A_249, %dma_wait3A_250] : memref<4x128x16xf32, #tpu.memory_space<vmem>> -> memref<1x128x16xf32, #tpu.memory_space<vmem>>
      %dma_wait3A_252 = tpu.memref_squeeze %dma_wait3A_251 : memref<1x128x16xf32, #tpu.memory_space<vmem>> -> memref<128x16xf32, #tpu.memory_space<vmem>>
      %dma_wait3A_253 = arith.constant 0 : i32
      %dma_wait3A_254 = arith.constant 0 : i32
      %dma_wait3A_255 = tpu.memref_slice %arg11[%dma_wait3A_253, %dma_wait3A_254] : memref<10112x16xf32, #tpu.memory_space<vmem_shared>> -> memref<128x16xf32, #tpu.memory_space<vmem_shared>>
      %dma_wait3A_256 = tpu.memref_slice %arg14[%dma_wait3A_248] : memref<4x!tpu.dma_semaphore, #tpu.memory_space<semaphore_mem>> -> memref<1x!tpu.dma_semaphore, #tpu.memory_space<semaphore_mem>>
      %dma_wait3A_257 = tpu.memref_squeeze %dma_wait3A_256 : memref<1x!tpu.dma_semaphore, #tpu.memory_space<semaphore_mem>> -> memref<!tpu.dma_semaphore, #tpu.memory_space<semaphore_mem>>
      %dma_wait3A_258 = arith.constant 0 : i32
      %dma_wait3A_259 = arith.constant 0 : i32
      %dma_wait3A_260 = tpu.memref_slice %arg11[%dma_wait3A_258, %dma_wait3A_259] : memref<10112x16xf32, #tpu.memory_space<vmem_shared>> -> memref<128x16xf32, #tpu.memory_space<vmem_shared>>
      %dma_wait3A_261 = arith.constant 0 : i32
      %dma_wait3A_262 = arith.constant 0 : i32
      %dma_wait3A_263 = tpu.memref_slice %arg9[%dma_wait3A_247, %dma_wait3A_261, %dma_wait3A_262] : memref<4x128x16xf32, #tpu.memory_space<vmem>> -> memref<1x128x16xf32, #tpu.memory_space<vmem>>
      %dma_wait3A_264 = tpu.memref_squeeze %dma_wait3A_263 : memref<1x128x16xf32, #tpu.memory_space<vmem>> -> memref<128x16xf32, #tpu.memory_space<vmem>>
      tpu.wait_dma2 semaphore(%dma_wait3A_257 : memref<!tpu.dma_semaphore, #tpu.memory_space<semaphore_mem>>) src(%dma_wait3A_264 : memref<128x16xf32, #tpu.memory_space<vmem>>) dst(%dma_wait3A_260 : memref<128x16xf32, #tpu.memory_space<vmem_shared>>)
      %dma_wait3A_265 = arith.constant 3 : i32
      %dma_wait3A_266 = arith.constant 3 : i32
      %dma_wait3A_267 = arith.constant 0 : i32
      %dma_wait3A_268 = arith.constant 0 : i32
      %dma_wait3A_269 = tpu.memref_slice %arg9[%dma_wait3A_265, %dma_wait3A_267, %dma_wait3A_268] : memref<4x128x16xf32, #tpu.memory_space<vmem>> -> memref<1x128x16xf32, #tpu.memory_space<vmem>>
      %dma_wait3A_270 = tpu.memref_squeeze %dma_wait3A_269 : memref<1x128x16xf32, #tpu.memory_space<vmem>> -> memref<128x16xf32, #tpu.memory_space<vmem>>
      %dma_wait3A_271 = arith.constant 0 : i32
      %dma_wait3A_272 = arith.constant 0 : i32
      %dma_wait3A_273 = tpu.memref_slice %arg11[%dma_wait3A_271, %dma_wait3A_272] : memref<10112x16xf32, #tpu.memory_space<vmem_shared>> -> memref<128x16xf32, #tpu.memory_space<vmem_shared>>
      %dma_wait3A_274 = tpu.memref_slice %arg14[%dma_wait3A_266] : memref<4x!tpu.dma_semaphore, #tpu.memory_space<semaphore_mem>> -> memref<1x!tpu.dma_semaphore, #tpu.memory_space<semaphore_mem>>
      %dma_wait3A_275 = tpu.memref_squeeze %dma_wait3A_274 : memref<1x!tpu.dma_semaphore, #tpu.memory_space<semaphore_mem>> -> memref<!tpu.dma_semaphore, #tpu.memory_space<semaphore_mem>>
      %dma_wait3A_276 = arith.constant 0 : i32
      %dma_wait3A_277 = arith.constant 0 : i32
      %dma_wait3A_278 = tpu.memref_slice %arg11[%dma_wait3A_276, %dma_wait3A_277] : memref<10112x16xf32, #tpu.memory_space<vmem_shared>> -> memref<128x16xf32, #tpu.memory_space<vmem_shared>>
      %dma_wait3A_279 = arith.constant 0 : i32
      %dma_wait3A_280 = arith.constant 0 : i32
      %dma_wait3A_281 = tpu.memref_slice %arg9[%dma_wait3A_265, %dma_wait3A_279, %dma_wait3A_280] : memref<4x128x16xf32, #tpu.memory_space<vmem>> -> memref<1x128x16xf32, #tpu.memory_space<vmem>>
      %dma_wait3A_282 = tpu.memref_squeeze %dma_wait3A_281 : memref<1x128x16xf32, #tpu.memory_space<vmem>> -> memref<128x16xf32, #tpu.memory_space<vmem>>
      tpu.wait_dma2 semaphore(%dma_wait3A_275 : memref<!tpu.dma_semaphore, #tpu.memory_space<semaphore_mem>>) src(%dma_wait3A_282 : memref<128x16xf32, #tpu.memory_space<vmem>>) dst(%dma_wait3A_278 : memref<128x16xf32, #tpu.memory_space<vmem_shared>>)
    }
    %scan3A_8 = arith.constant 20 : i32
    %barrier3A_9 = arith.constant 0 : index
    tpu.barrier barrier_id(%barrier3A_9)
    "tpu.region"() ({
      %run_scoped3A = tpu.sem_alloc : memref<!tpu.dma_semaphore, #tpu.memory_space<semaphore_mem>>
      %dma_start3A = arith.constant 0 : i32
      %dma_start3A_10 = tpu.memref_slice %arg6[%arg0, %mul3A_2, %dma_start3A] : memref<2x10112x16xf32, #tpu.memory_space<hbm>> -> memref<1x632x16xf32, #tpu.memory_space<hbm>>
      %dma_start3A_11 = tpu.memref_squeeze %dma_start3A_10 : memref<1x632x16xf32, #tpu.memory_space<hbm>> -> memref<632x16xf32, #tpu.memory_space<hbm>>
      %dma_start3A_12 = arith.constant 0 : i32
      %dma_start3A_13 = tpu.memref_slice %arg11[%mul3A_2, %dma_start3A_12] : memref<10112x16xf32, #tpu.memory_space<vmem_shared>> -> memref<632x16xf32, #tpu.memory_space<vmem_shared>>
      tpu.enqueue_dma source(%dma_start3A_13 : memref<632x16xf32, #tpu.memory_space<vmem_shared>>) target(%dma_start3A_11 : memref<632x16xf32, #tpu.memory_space<hbm>>) target_semaphore(%run_scoped3A : memref<!tpu.dma_semaphore, #tpu.memory_space<semaphore_mem>>)
      %dma_wait3A = arith.constant 0 : i32
      %dma_wait3A_14 = tpu.memref_slice %arg6[%arg0, %mul3A_2, %dma_wait3A] : memref<2x10112x16xf32, #tpu.memory_space<hbm>> -> memref<1x632x16xf32, #tpu.memory_space<hbm>>
      %dma_wait3A_15 = tpu.memref_squeeze %dma_wait3A_14 : memref<1x632x16xf32, #tpu.memory_space<hbm>> -> memref<632x16xf32, #tpu.memory_space<hbm>>
      %dma_wait3A_16 = arith.constant 0 : i32
      %dma_wait3A_17 = tpu.memref_slice %arg11[%mul3A_2, %dma_wait3A_16] : memref<10112x16xf32, #tpu.memory_space<vmem_shared>> -> memref<632x16xf32, #tpu.memory_space<vmem_shared>>
      tpu.wait_dma2 semaphore(%run_scoped3A : memref<!tpu.dma_semaphore, #tpu.memory_space<semaphore_mem>>) src(%dma_wait3A_17 : memref<632x16xf32, #tpu.memory_space<vmem_shared>>) dst(%dma_wait3A_15 : memref<632x16xf32, #tpu.memory_space<hbm>>)
      tpu.yield
    }) : () -> ()
    return
  }
}

#map = affine_map<(d0, d1) -> (0, 0)>
#map1 = affine_map<(d0, d1) -> (0, 0, 0)>
module attributes {stable_mosaic.version = 14 : i64} {
  func.func @body(%arg0: i32, %arg1: i32, %arg2: memref<10112x16xf32, #tpu.memory_space<hbm>>, %arg3: memref<32x80x128xi32, #tpu.memory_space<hbm>>, %arg4: memref<32x80x128xi32, #tpu.memory_space<hbm>>, %arg5: memref<10112x16xf32, #tpu.memory_space<hbm>>, %arg6: memref<2x10112x16xf32, #tpu.memory_space<hbm>>, %arg7: memref<32x632x16xf32, #tpu.memory_space<hbm>>, %arg8: memref<80x128xi32, #tpu.memory_space<vmem>>, %arg9: memref<80x128xi32, #tpu.memory_space<vmem>>, %arg10: memref<4x128x16xf32, #tpu.memory_space<vmem>>, %arg11: memref<632x16xf32, #tpu.memory_space<vmem>>, %arg12: memref<10112x16xf32, #tpu.memory_space<vmem_shared>>, %arg13: memref<10112x16xf32, #tpu.memory_space<vmem_shared>>, %arg14: memref<4x!tpu.dma_semaphore, #tpu.memory_space<semaphore_mem>>, %arg15: memref<4x!tpu.dma_semaphore, #tpu.memory_space<semaphore_mem>>) attributes {dimension_semantics = [#tpu.dimension_semantics<core_parallel>, #tpu.dimension_semantics<subcore_parallel>], iteration_bounds = array<i64: 2, 16>, scalar_prefetch = 0 : i64, scratch_operands = 8 : i64, tpu.core_type = #tpu.core_type<sc_vector_subcore>, window_params = [{transform_indices = #map}, {transform_indices = #map1}, {transform_indices = #map1}, {transform_indices = #map}, {transform_indices = #map1}, {transform_indices = #map1}]} {
    %mul3A = arith.constant 16 : i32
    %mul3A_0 = arith.muli %arg0, %mul3A : i32
    %add3A = arith.addi %mul3A_0, %arg1 : i32
    "tpu.region"() ({
      %run_scoped3A = tpu.sem_alloc : memref<!tpu.dma_semaphore, #tpu.memory_space<semaphore_mem>>
      %dma_start3A = arith.constant 0 : i32
      %dma_start3A_10 = arith.constant 0 : i32
      %dma_start3A_11 = tpu.memref_slice %arg3[%add3A, %dma_start3A, %dma_start3A_10] : memref<32x80x128xi32, #tpu.memory_space<hbm>> -> memref<1x80x128xi32, #tpu.memory_space<hbm>>
      %dma_start3A_12 = tpu.memref_squeeze %dma_start3A_11 : memref<1x80x128xi32, #tpu.memory_space<hbm>> -> memref<80x128xi32, #tpu.memory_space<hbm>>
      %dma_start3A_13 = arith.constant 0 : i32
      %dma_start3A_14 = arith.constant 0 : i32
      %dma_start3A_15 = tpu.memref_slice %arg3[%add3A, %dma_start3A_13, %dma_start3A_14] : memref<32x80x128xi32, #tpu.memory_space<hbm>> -> memref<1x80x128xi32, #tpu.memory_space<hbm>>
      %dma_start3A_16 = tpu.memref_squeeze %dma_start3A_15 : memref<1x80x128xi32, #tpu.memory_space<hbm>> -> memref<80x128xi32, #tpu.memory_space<hbm>>
      tpu.enqueue_dma source(%dma_start3A_16 : memref<80x128xi32, #tpu.memory_space<hbm>>) target(%arg8 : memref<80x128xi32, #tpu.memory_space<vmem>>) target_semaphore(%run_scoped3A : memref<!tpu.dma_semaphore, #tpu.memory_space<semaphore_mem>>)
      %dma_wait3A = arith.constant 0 : i32
      %dma_wait3A_17 = arith.constant 0 : i32
      %dma_wait3A_18 = tpu.memref_slice %arg3[%add3A, %dma_wait3A, %dma_wait3A_17] : memref<32x80x128xi32, #tpu.memory_space<hbm>> -> memref<1x80x128xi32, #tpu.memory_space<hbm>>
      %dma_wait3A_19 = tpu.memref_squeeze %dma_wait3A_18 : memref<1x80x128xi32, #tpu.memory_space<hbm>> -> memref<80x128xi32, #tpu.memory_space<hbm>>
      %dma_wait3A_20 = arith.constant 0 : i32
      %dma_wait3A_21 = arith.constant 0 : i32
      %dma_wait3A_22 = tpu.memref_slice %arg3[%add3A, %dma_wait3A_20, %dma_wait3A_21] : memref<32x80x128xi32, #tpu.memory_space<hbm>> -> memref<1x80x128xi32, #tpu.memory_space<hbm>>
      %dma_wait3A_23 = tpu.memref_squeeze %dma_wait3A_22 : memref<1x80x128xi32, #tpu.memory_space<hbm>> -> memref<80x128xi32, #tpu.memory_space<hbm>>
      tpu.wait_dma2 semaphore(%run_scoped3A : memref<!tpu.dma_semaphore, #tpu.memory_space<semaphore_mem>>) src(%dma_wait3A_23 : memref<80x128xi32, #tpu.memory_space<hbm>>) dst(%arg8 : memref<80x128xi32, #tpu.memory_space<vmem>>)
      tpu.yield
    }) : () -> ()
    "tpu.region"() ({
      %run_scoped3A = tpu.sem_alloc : memref<!tpu.dma_semaphore, #tpu.memory_space<semaphore_mem>>
      %dma_start3A = arith.constant 0 : i32
      %dma_start3A_10 = arith.constant 0 : i32
      %dma_start3A_11 = tpu.memref_slice %arg4[%add3A, %dma_start3A, %dma_start3A_10] : memref<32x80x128xi32, #tpu.memory_space<hbm>> -> memref<1x80x128xi32, #tpu.memory_space<hbm>>
      %dma_start3A_12 = tpu.memref_squeeze %dma_start3A_11 : memref<1x80x128xi32, #tpu.memory_space<hbm>> -> memref<80x128xi32, #tpu.memory_space<hbm>>
      %dma_start3A_13 = arith.constant 0 : i32
      %dma_start3A_14 = arith.constant 0 : i32
      %dma_start3A_15 = tpu.memref_slice %arg4[%add3A, %dma_start3A_13, %dma_start3A_14] : memref<32x80x128xi32, #tpu.memory_space<hbm>> -> memref<1x80x128xi32, #tpu.memory_space<hbm>>
      %dma_start3A_16 = tpu.memref_squeeze %dma_start3A_15 : memref<1x80x128xi32, #tpu.memory_space<hbm>> -> memref<80x128xi32, #tpu.memory_space<hbm>>
      tpu.enqueue_dma source(%dma_start3A_16 : memref<80x128xi32, #tpu.memory_space<hbm>>) target(%arg9 : memref<80x128xi32, #tpu.memory_space<vmem>>) target_semaphore(%run_scoped3A : memref<!tpu.dma_semaphore, #tpu.memory_space<semaphore_mem>>)
      %dma_wait3A = arith.constant 0 : i32
      %dma_wait3A_17 = arith.constant 0 : i32
      %dma_wait3A_18 = tpu.memref_slice %arg4[%add3A, %dma_wait3A, %dma_wait3A_17] : memref<32x80x128xi32, #tpu.memory_space<hbm>> -> memref<1x80x128xi32, #tpu.memory_space<hbm>>
      %dma_wait3A_19 = tpu.memref_squeeze %dma_wait3A_18 : memref<1x80x128xi32, #tpu.memory_space<hbm>> -> memref<80x128xi32, #tpu.memory_space<hbm>>
      %dma_wait3A_20 = arith.constant 0 : i32
      %dma_wait3A_21 = arith.constant 0 : i32
      %dma_wait3A_22 = tpu.memref_slice %arg4[%add3A, %dma_wait3A_20, %dma_wait3A_21] : memref<32x80x128xi32, #tpu.memory_space<hbm>> -> memref<1x80x128xi32, #tpu.memory_space<hbm>>
      %dma_wait3A_23 = tpu.memref_squeeze %dma_wait3A_22 : memref<1x80x128xi32, #tpu.memory_space<hbm>> -> memref<80x128xi32, #tpu.memory_space<hbm>>
      tpu.wait_dma2 semaphore(%run_scoped3A : memref<!tpu.dma_semaphore, #tpu.memory_space<semaphore_mem>>) src(%dma_wait3A_23 : memref<80x128xi32, #tpu.memory_space<hbm>>) dst(%arg9 : memref<80x128xi32, #tpu.memory_space<vmem>>)
      tpu.yield
    }) : () -> ()
    "tpu.region"() ({
      %run_scoped3A = tpu.sem_alloc : memref<!tpu.dma_semaphore, #tpu.memory_space<semaphore_mem>>
      %dma_start3A = arith.constant 0 : i32
      %dma_start3A_10 = arith.constant 0 : i32
      %dma_start3A_11 = tpu.memref_slice %arg5[%dma_start3A, %dma_start3A_10] : memref<10112x16xf32, #tpu.memory_space<hbm>> -> memref<632x16xf32, #tpu.memory_space<hbm>>
      %dma_start3A_12 = arith.constant 0 : i32
      %dma_start3A_13 = arith.constant 0 : i32
      %dma_start3A_14 = tpu.memref_slice %arg5[%dma_start3A_12, %dma_start3A_13] : memref<10112x16xf32, #tpu.memory_space<hbm>> -> memref<632x16xf32, #tpu.memory_space<hbm>>
      tpu.enqueue_dma source(%dma_start3A_14 : memref<632x16xf32, #tpu.memory_space<hbm>>) target(%arg11 : memref<632x16xf32, #tpu.memory_space<vmem>>) target_semaphore(%run_scoped3A : memref<!tpu.dma_semaphore, #tpu.memory_space<semaphore_mem>>)
      %dma_wait3A = arith.constant 0 : i32
      %dma_wait3A_15 = arith.constant 0 : i32
      %dma_wait3A_16 = tpu.memref_slice %arg5[%dma_wait3A, %dma_wait3A_15] : memref<10112x16xf32, #tpu.memory_space<hbm>> -> memref<632x16xf32, #tpu.memory_space<hbm>>
      %dma_wait3A_17 = arith.constant 0 : i32
      %dma_wait3A_18 = arith.constant 0 : i32
      %dma_wait3A_19 = tpu.memref_slice %arg5[%dma_wait3A_17, %dma_wait3A_18] : memref<10112x16xf32, #tpu.memory_space<hbm>> -> memref<632x16xf32, #tpu.memory_space<hbm>>
      tpu.wait_dma2 semaphore(%run_scoped3A : memref<!tpu.dma_semaphore, #tpu.memory_space<semaphore_mem>>) src(%dma_wait3A_19 : memref<632x16xf32, #tpu.memory_space<hbm>>) dst(%arg11 : memref<632x16xf32, #tpu.memory_space<vmem>>)
      tpu.yield
    }) : () -> ()
    %mul3A_1 = arith.constant 632 : i32
    %mul3A_2 = arith.muli %arg1, %mul3A_1 : i32
    "tpu.region"() ({
      %run_scoped3A = tpu.sem_alloc : memref<!tpu.dma_semaphore, #tpu.memory_space<semaphore_mem>>
      %dma_start3A = arith.constant 0 : i32
      %dma_start3A_10 = tpu.memref_slice %arg12[%mul3A_2, %dma_start3A] : memref<10112x16xf32, #tpu.memory_space<vmem_shared>> -> memref<632x16xf32, #tpu.memory_space<vmem_shared>>
      %dma_start3A_11 = arith.constant 0 : i32
      %dma_start3A_12 = tpu.memref_slice %arg5[%mul3A_2, %dma_start3A_11] : memref<10112x16xf32, #tpu.memory_space<hbm>> -> memref<632x16xf32, #tpu.memory_space<hbm>>
      tpu.enqueue_dma source(%dma_start3A_12 : memref<632x16xf32, #tpu.memory_space<hbm>>) target(%dma_start3A_10 : memref<632x16xf32, #tpu.memory_space<vmem_shared>>) target_semaphore(%run_scoped3A : memref<!tpu.dma_semaphore, #tpu.memory_space<semaphore_mem>>)
      %dma_wait3A = arith.constant 0 : i32
      %dma_wait3A_13 = tpu.memref_slice %arg12[%mul3A_2, %dma_wait3A] : memref<10112x16xf32, #tpu.memory_space<vmem_shared>> -> memref<632x16xf32, #tpu.memory_space<vmem_shared>>
      %dma_wait3A_14 = arith.constant 0 : i32
      %dma_wait3A_15 = tpu.memref_slice %arg5[%mul3A_2, %dma_wait3A_14] : memref<10112x16xf32, #tpu.memory_space<hbm>> -> memref<632x16xf32, #tpu.memory_space<hbm>>
      tpu.wait_dma2 semaphore(%run_scoped3A : memref<!tpu.dma_semaphore, #tpu.memory_space<semaphore_mem>>) src(%dma_wait3A_15 : memref<632x16xf32, #tpu.memory_space<hbm>>) dst(%dma_wait3A_13 : memref<632x16xf32, #tpu.memory_space<vmem_shared>>)
      tpu.yield
    }) : () -> ()
    "tpu.region"() ({
      %run_scoped3A = tpu.sem_alloc : memref<!tpu.dma_semaphore, #tpu.memory_space<semaphore_mem>>
      %dma_start3A = arith.constant 0 : i32
      %dma_start3A_10 = tpu.memref_slice %arg13[%mul3A_2, %dma_start3A] : memref<10112x16xf32, #tpu.memory_space<vmem_shared>> -> memref<632x16xf32, #tpu.memory_space<vmem_shared>>
      %dma_start3A_11 = arith.constant 0 : i32
      %dma_start3A_12 = tpu.memref_slice %arg2[%mul3A_2, %dma_start3A_11] : memref<10112x16xf32, #tpu.memory_space<hbm>> -> memref<632x16xf32, #tpu.memory_space<hbm>>
      tpu.enqueue_dma source(%dma_start3A_12 : memref<632x16xf32, #tpu.memory_space<hbm>>) target(%dma_start3A_10 : memref<632x16xf32, #tpu.memory_space<vmem_shared>>) target_semaphore(%run_scoped3A : memref<!tpu.dma_semaphore, #tpu.memory_space<semaphore_mem>>)
      %dma_wait3A = arith.constant 0 : i32
      %dma_wait3A_13 = tpu.memref_slice %arg13[%mul3A_2, %dma_wait3A] : memref<10112x16xf32, #tpu.memory_space<vmem_shared>> -> memref<632x16xf32, #tpu.memory_space<vmem_shared>>
      %dma_wait3A_14 = arith.constant 0 : i32
      %dma_wait3A_15 = tpu.memref_slice %arg2[%mul3A_2, %dma_wait3A_14] : memref<10112x16xf32, #tpu.memory_space<hbm>> -> memref<632x16xf32, #tpu.memory_space<hbm>>
      tpu.wait_dma2 semaphore(%run_scoped3A : memref<!tpu.dma_semaphore, #tpu.memory_space<semaphore_mem>>) src(%dma_wait3A_15 : memref<632x16xf32, #tpu.memory_space<hbm>>) dst(%dma_wait3A_13 : memref<632x16xf32, #tpu.memory_space<vmem_shared>>)
      tpu.yield
    }) : () -> ()
    %barrier3A = arith.constant 0 : index
    tpu.barrier barrier_id(%barrier3A)
    %broadcast_in_dim3A = arith.constant 1.000000e+00 : f32
    %broadcast_in_dim3A_3 = vector.broadcast %broadcast_in_dim3A : f32 to vector<16xf32>
    %scan3A = arith.constant 0 : i32
    %scan3A_4 = arith.constant 0 : i32
    %scan3A_5 = arith.constant 20 : i32
    %scan3A_6 = arith.addi %scan3A_4, %scan3A_5 : i32
    %scan3A_7 = arith.constant 1 : i32
    scf.for %scan3A_10 = %scan3A_4 to %scan3A_6 step %scan3A_7  : i32 {
      %mul3A_11 = arith.constant 4 : i32
      %mul3A_12 = arith.muli %scan3A_10, %mul3A_11 : i32
      %add3A_13 = arith.constant 0 : i32
      %add3A_14 = arith.addi %mul3A_12, %add3A_13 : i32
      %dma_start3A = arith.constant 0 : i32
      %dma_start3A_15 = arith.constant 0 : i32
      %dma_start3A_16 = arith.constant 0 : i32
      %dma_start3A_17 = arith.constant 0 : i32
      %dma_start3A_18 = tpu.memref_slice %arg10[%dma_start3A, %dma_start3A_16, %dma_start3A_17] : memref<4x128x16xf32, #tpu.memory_space<vmem>> -> memref<1x128x16xf32, #tpu.memory_space<vmem>>
      %dma_start3A_19 = tpu.memref_squeeze %dma_start3A_18 : memref<1x128x16xf32, #tpu.memory_space<vmem>> -> memref<128x16xf32, #tpu.memory_space<vmem>>
      %dma_start3A_20 = arith.constant 0 : i32
      %dma_start3A_21 = tpu.memref_slice %arg8[%add3A_14, %dma_start3A_20] : memref<80x128xi32, #tpu.memory_space<vmem>> -> memref<1x128xi32, #tpu.memory_space<vmem>>
      %dma_start3A_22 = tpu.memref_squeeze %dma_start3A_21 : memref<1x128xi32, #tpu.memory_space<vmem>> -> memref<128xi32, #tpu.memory_space<vmem>>
      %dma_start3A_23 = arith.constant 0 : i32
      %dma_start3A_24 = arith.constant 0 : i32
      %dma_start3A_25 = tpu.memref_slice %arg13[%dma_start3A_23, %dma_start3A_24] : memref<10112x16xf32, #tpu.memory_space<vmem_shared>> -> memref<10112x16xf32, #tpu.memory_space<vmem_shared>>
      %dma_start3A_26 = tpu.memref_slice %arg14[%dma_start3A_15] : memref<4x!tpu.dma_semaphore, #tpu.memory_space<semaphore_mem>> -> memref<1x!tpu.dma_semaphore, #tpu.memory_space<semaphore_mem>>
      %dma_start3A_27 = tpu.memref_squeeze %dma_start3A_26 : memref<1x!tpu.dma_semaphore, #tpu.memory_space<semaphore_mem>> -> memref<!tpu.dma_semaphore, #tpu.memory_space<semaphore_mem>>
      tpu.enqueue_indirect_dma source(%dma_start3A_25 : memref<10112x16xf32, #tpu.memory_space<vmem_shared>>) target(%dma_start3A_19 : memref<128x16xf32, #tpu.memory_space<vmem>>) offsets(%dma_start3A_22 : memref<128xi32, #tpu.memory_space<vmem>>) semaphore(%dma_start3A_27 : memref<!tpu.dma_semaphore, #tpu.memory_space<semaphore_mem>>)
      %add3A_28 = arith.constant 1 : i32
      %add3A_29 = arith.addi %mul3A_12, %add3A_28 : i32
      %dma_start3A_30 = arith.constant 1 : i32
      %dma_start3A_31 = arith.constant 1 : i32
      %dma_start3A_32 = arith.constant 0 : i32
      %dma_start3A_33 = arith.constant 0 : i32
      %dma_start3A_34 = tpu.memref_slice %arg10[%dma_start3A_30, %dma_start3A_32, %dma_start3A_33] : memref<4x128x16xf32, #tpu.memory_space<vmem>> -> memref<1x128x16xf32, #tpu.memory_space<vmem>>
      %dma_start3A_35 = tpu.memref_squeeze %dma_start3A_34 : memref<1x128x16xf32, #tpu.memory_space<vmem>> -> memref<128x16xf32, #tpu.memory_space<vmem>>
      %dma_start3A_36 = arith.constant 0 : i32
      %dma_start3A_37 = tpu.memref_slice %arg8[%add3A_29, %dma_start3A_36] : memref<80x128xi32, #tpu.memory_space<vmem>> -> memref<1x128xi32, #tpu.memory_space<vmem>>
      %dma_start3A_38 = tpu.memref_squeeze %dma_start3A_37 : memref<1x128xi32, #tpu.memory_space<vmem>> -> memref<128xi32, #tpu.memory_space<vmem>>
      %dma_start3A_39 = arith.constant 0 : i32
      %dma_start3A_40 = arith.constant 0 : i32
      %dma_start3A_41 = tpu.memref_slice %arg13[%dma_start3A_39, %dma_start3A_40] : memref<10112x16xf32, #tpu.memory_space<vmem_shared>> -> memref<10112x16xf32, #tpu.memory_space<vmem_shared>>
      %dma_start3A_42 = tpu.memref_slice %arg14[%dma_start3A_31] : memref<4x!tpu.dma_semaphore, #tpu.memory_space<semaphore_mem>> -> memref<1x!tpu.dma_semaphore, #tpu.memory_space<semaphore_mem>>
      %dma_start3A_43 = tpu.memref_squeeze %dma_start3A_42 : memref<1x!tpu.dma_semaphore, #tpu.memory_space<semaphore_mem>> -> memref<!tpu.dma_semaphore, #tpu.memory_space<semaphore_mem>>
      tpu.enqueue_indirect_dma source(%dma_start3A_41 : memref<10112x16xf32, #tpu.memory_space<vmem_shared>>) target(%dma_start3A_35 : memref<128x16xf32, #tpu.memory_space<vmem>>) offsets(%dma_start3A_38 : memref<128xi32, #tpu.memory_space<vmem>>) semaphore(%dma_start3A_43 : memref<!tpu.dma_semaphore, #tpu.memory_space<semaphore_mem>>)
      %add3A_44 = arith.constant 2 : i32
      %add3A_45 = arith.addi %mul3A_12, %add3A_44 : i32
      %dma_start3A_46 = arith.constant 2 : i32
      %dma_start3A_47 = arith.constant 2 : i32
      %dma_start3A_48 = arith.constant 0 : i32
      %dma_start3A_49 = arith.constant 0 : i32
      %dma_start3A_50 = tpu.memref_slice %arg10[%dma_start3A_46, %dma_start3A_48, %dma_start3A_49] : memref<4x128x16xf32, #tpu.memory_space<vmem>> -> memref<1x128x16xf32, #tpu.memory_space<vmem>>
      %dma_start3A_51 = tpu.memref_squeeze %dma_start3A_50 : memref<1x128x16xf32, #tpu.memory_space<vmem>> -> memref<128x16xf32, #tpu.memory_space<vmem>>
      %dma_start3A_52 = arith.constant 0 : i32
      %dma_start3A_53 = tpu.memref_slice %arg8[%add3A_45, %dma_start3A_52] : memref<80x128xi32, #tpu.memory_space<vmem>> -> memref<1x128xi32, #tpu.memory_space<vmem>>
      %dma_start3A_54 = tpu.memref_squeeze %dma_start3A_53 : memref<1x128xi32, #tpu.memory_space<vmem>> -> memref<128xi32, #tpu.memory_space<vmem>>
      %dma_start3A_55 = arith.constant 0 : i32
      %dma_start3A_56 = arith.constant 0 : i32
      %dma_start3A_57 = tpu.memref_slice %arg13[%dma_start3A_55, %dma_start3A_56] : memref<10112x16xf32, #tpu.memory_space<vmem_shared>> -> memref<10112x16xf32, #tpu.memory_space<vmem_shared>>
      %dma_start3A_58 = tpu.memref_slice %arg14[%dma_start3A_47] : memref<4x!tpu.dma_semaphore, #tpu.memory_space<semaphore_mem>> -> memref<1x!tpu.dma_semaphore, #tpu.memory_space<semaphore_mem>>
      %dma_start3A_59 = tpu.memref_squeeze %dma_start3A_58 : memref<1x!tpu.dma_semaphore, #tpu.memory_space<semaphore_mem>> -> memref<!tpu.dma_semaphore, #tpu.memory_space<semaphore_mem>>
      tpu.enqueue_indirect_dma source(%dma_start3A_57 : memref<10112x16xf32, #tpu.memory_space<vmem_shared>>) target(%dma_start3A_51 : memref<128x16xf32, #tpu.memory_space<vmem>>) offsets(%dma_start3A_54 : memref<128xi32, #tpu.memory_space<vmem>>) semaphore(%dma_start3A_59 : memref<!tpu.dma_semaphore, #tpu.memory_space<semaphore_mem>>)
      %add3A_60 = arith.constant 3 : i32
      %add3A_61 = arith.addi %mul3A_12, %add3A_60 : i32
      %dma_start3A_62 = arith.constant 3 : i32
      %dma_start3A_63 = arith.constant 3 : i32
      %dma_start3A_64 = arith.constant 0 : i32
      %dma_start3A_65 = arith.constant 0 : i32
      %dma_start3A_66 = tpu.memref_slice %arg10[%dma_start3A_62, %dma_start3A_64, %dma_start3A_65] : memref<4x128x16xf32, #tpu.memory_space<vmem>> -> memref<1x128x16xf32, #tpu.memory_space<vmem>>
      %dma_start3A_67 = tpu.memref_squeeze %dma_start3A_66 : memref<1x128x16xf32, #tpu.memory_space<vmem>> -> memref<128x16xf32, #tpu.memory_space<vmem>>
      %dma_start3A_68 = arith.constant 0 : i32
      %dma_start3A_69 = tpu.memref_slice %arg8[%add3A_61, %dma_start3A_68] : memref<80x128xi32, #tpu.memory_space<vmem>> -> memref<1x128xi32, #tpu.memory_space<vmem>>
      %dma_start3A_70 = tpu.memref_squeeze %dma_start3A_69 : memref<1x128xi32, #tpu.memory_space<vmem>> -> memref<128xi32, #tpu.memory_space<vmem>>
      %dma_start3A_71 = arith.constant 0 : i32
      %dma_start3A_72 = arith.constant 0 : i32
      %dma_start3A_73 = tpu.memref_slice %arg13[%dma_start3A_71, %dma_start3A_72] : memref<10112x16xf32, #tpu.memory_space<vmem_shared>> -> memref<10112x16xf32, #tpu.memory_space<vmem_shared>>
      %dma_start3A_74 = tpu.memref_slice %arg14[%dma_start3A_63] : memref<4x!tpu.dma_semaphore, #tpu.memory_space<semaphore_mem>> -> memref<1x!tpu.dma_semaphore, #tpu.memory_space<semaphore_mem>>
      %dma_start3A_75 = tpu.memref_squeeze %dma_start3A_74 : memref<1x!tpu.dma_semaphore, #tpu.memory_space<semaphore_mem>> -> memref<!tpu.dma_semaphore, #tpu.memory_space<semaphore_mem>>
      tpu.enqueue_indirect_dma source(%dma_start3A_73 : memref<10112x16xf32, #tpu.memory_space<vmem_shared>>) target(%dma_start3A_67 : memref<128x16xf32, #tpu.memory_space<vmem>>) offsets(%dma_start3A_70 : memref<128xi32, #tpu.memory_space<vmem>>) semaphore(%dma_start3A_75 : memref<!tpu.dma_semaphore, #tpu.memory_space<semaphore_mem>>)
      %add3A_76 = arith.constant 0 : i32
      %add3A_77 = arith.addi %mul3A_12, %add3A_76 : i32
      %dma_wait3A = arith.constant 0 : i32
      %dma_wait3A_78 = arith.constant 0 : i32
      %dma_wait3A_79 = arith.constant 0 : i32
      %dma_wait3A_80 = arith.constant 0 : i32
      %dma_wait3A_81 = tpu.memref_slice %arg10[%dma_wait3A, %dma_wait3A_79, %dma_wait3A_80] : memref<4x128x16xf32, #tpu.memory_space<vmem>> -> memref<1x128x16xf32, #tpu.memory_space<vmem>>
      %dma_wait3A_82 = tpu.memref_squeeze %dma_wait3A_81 : memref<1x128x16xf32, #tpu.memory_space<vmem>> -> memref<128x16xf32, #tpu.memory_space<vmem>>
      %dma_wait3A_83 = arith.constant 0 : i32
      %dma_wait3A_84 = arith.constant 0 : i32
      %dma_wait3A_85 = tpu.memref_slice %arg5[%dma_wait3A_83, %dma_wait3A_84] : memref<10112x16xf32, #tpu.memory_space<hbm>> -> memref<128x16xf32, #tpu.memory_space<hbm>>
      %dma_wait3A_86 = tpu.memref_slice %arg14[%dma_wait3A_78] : memref<4x!tpu.dma_semaphore, #tpu.memory_space<semaphore_mem>> -> memref<1x!tpu.dma_semaphore, #tpu.memory_space<semaphore_mem>>
      %dma_wait3A_87 = tpu.memref_squeeze %dma_wait3A_86 : memref<1x!tpu.dma_semaphore, #tpu.memory_space<semaphore_mem>> -> memref<!tpu.dma_semaphore, #tpu.memory_space<semaphore_mem>>
      %dma_wait3A_88 = arith.constant 0 : i32
      %dma_wait3A_89 = arith.constant 0 : i32
      %dma_wait3A_90 = tpu.memref_slice %arg10[%dma_wait3A, %dma_wait3A_88, %dma_wait3A_89] : memref<4x128x16xf32, #tpu.memory_space<vmem>> -> memref<1x128x16xf32, #tpu.memory_space<vmem>>
      %dma_wait3A_91 = tpu.memref_squeeze %dma_wait3A_90 : memref<1x128x16xf32, #tpu.memory_space<vmem>> -> memref<128x16xf32, #tpu.memory_space<vmem>>
      %dma_wait3A_92 = arith.constant 0 : i32
      %dma_wait3A_93 = arith.constant 0 : i32
      %dma_wait3A_94 = tpu.memref_slice %arg5[%dma_wait3A_92, %dma_wait3A_93] : memref<10112x16xf32, #tpu.memory_space<hbm>> -> memref<128x16xf32, #tpu.memory_space<hbm>>
      tpu.wait_dma2 semaphore(%dma_wait3A_87 : memref<!tpu.dma_semaphore, #tpu.memory_space<semaphore_mem>>) src(%dma_wait3A_94 : memref<128x16xf32, #tpu.memory_space<hbm>>) dst(%dma_wait3A_91 : memref<128x16xf32, #tpu.memory_space<vmem>>)
      %dma_start3A_95 = arith.constant 0 : i32
      %dma_start3A_96 = arith.constant 0 : i32
      %dma_start3A_97 = arith.constant 0 : i32
      %dma_start3A_98 = arith.constant 0 : i32
      %dma_start3A_99 = tpu.memref_slice %arg10[%dma_start3A_95, %dma_start3A_97, %dma_start3A_98] : memref<4x128x16xf32, #tpu.memory_space<vmem>> -> memref<1x128x16xf32, #tpu.memory_space<vmem>>
      %dma_start3A_100 = tpu.memref_squeeze %dma_start3A_99 : memref<1x128x16xf32, #tpu.memory_space<vmem>> -> memref<128x16xf32, #tpu.memory_space<vmem>>
      %dma_start3A_101 = arith.constant 0 : i32
      %dma_start3A_102 = tpu.memref_slice %arg9[%add3A_77, %dma_start3A_101] : memref<80x128xi32, #tpu.memory_space<vmem>> -> memref<1x128xi32, #tpu.memory_space<vmem>>
      %dma_start3A_103 = tpu.memref_squeeze %dma_start3A_102 : memref<1x128xi32, #tpu.memory_space<vmem>> -> memref<128xi32, #tpu.memory_space<vmem>>
      %dma_start3A_104 = arith.constant 0 : i32
      %dma_start3A_105 = arith.constant 0 : i32
      %dma_start3A_106 = tpu.memref_slice %arg12[%dma_start3A_104, %dma_start3A_105] : memref<10112x16xf32, #tpu.memory_space<vmem_shared>> -> memref<10112x16xf32, #tpu.memory_space<vmem_shared>>
      %dma_start3A_107 = tpu.memref_slice %arg15[%dma_start3A_96] : memref<4x!tpu.dma_semaphore, #tpu.memory_space<semaphore_mem>> -> memref<1x!tpu.dma_semaphore, #tpu.memory_space<semaphore_mem>>
      %dma_start3A_108 = tpu.memref_squeeze %dma_start3A_107 : memref<1x!tpu.dma_semaphore, #tpu.memory_space<semaphore_mem>> -> memref<!tpu.dma_semaphore, #tpu.memory_space<semaphore_mem>>
      tpu.enqueue_indirect_dma source(%dma_start3A_100 : memref<128x16xf32, #tpu.memory_space<vmem>>) target(%dma_start3A_106 : memref<10112x16xf32, #tpu.memory_space<vmem_shared>>) offsets(%dma_start3A_103 : memref<128xi32, #tpu.memory_space<vmem>>) semaphore(%dma_start3A_108 : memref<!tpu.dma_semaphore, #tpu.memory_space<semaphore_mem>>) {add = true}
      %get3A = arith.index_cast %add3A_77 : i32 to index
      %get3A_109 = arith.constant 0 : index
      %get3A_110 = tpu.vector_load %arg9[%get3A, %get3A_109] {strides = array<i32>} : memref<80x128xi32, #tpu.memory_space<vmem>>, vector<16xi32>,
      %shift_right_logical3A = arith.constant 4 : i32
      %shift_right_logical3A_111 = vector.broadcast %shift_right_logical3A : i32 to vector<16xi32>
      %shift_right_logical3A_112 = arith.shrui %get3A_110, %shift_right_logical3A_111 : vector<16xi32>
      %and3A = arith.constant 15 : i32
      %and3A_113 = vector.broadcast %and3A : i32 to vector<16xi32>
      %and3A_114 = arith.andi %get3A_110, %and3A_113 : vector<16xi32>
      tpu.vector_store_idx %arg11[%shift_right_logical3A_112, %and3A_114], %broadcast_in_dim3A_3 {add = true} : memref<632x16xf32, #tpu.memory_space<vmem>>[vector<16xi32>, vector<16xi32>], vector<16xf32>,
      %get3A_115 = arith.index_cast %add3A_77 : i32 to index
      %get3A_116 = arith.constant 16 : index
      %get3A_117 = tpu.vector_load %arg9[%get3A_115, %get3A_116] {strides = array<i32>} : memref<80x128xi32, #tpu.memory_space<vmem>>, vector<16xi32>,
      %shift_right_logical3A_118 = arith.constant 4 : i32
      %shift_right_logical3A_119 = vector.broadcast %shift_right_logical3A_118 : i32 to vector<16xi32>
      %shift_right_logical3A_120 = arith.shrui %get3A_117, %shift_right_logical3A_119 : vector<16xi32>
      %and3A_121 = arith.constant 15 : i32
      %and3A_122 = vector.broadcast %and3A_121 : i32 to vector<16xi32>
      %and3A_123 = arith.andi %get3A_117, %and3A_122 : vector<16xi32>
      tpu.vector_store_idx %arg11[%shift_right_logical3A_120, %and3A_123], %broadcast_in_dim3A_3 {add = true} : memref<632x16xf32, #tpu.memory_space<vmem>>[vector<16xi32>, vector<16xi32>], vector<16xf32>,
      %get3A_124 = arith.index_cast %add3A_77 : i32 to index
      %get3A_125 = arith.constant 32 : index
      %get3A_126 = tpu.vector_load %arg9[%get3A_124, %get3A_125] {strides = array<i32>} : memref<80x128xi32, #tpu.memory_space<vmem>>, vector<16xi32>,
      %shift_right_logical3A_127 = arith.constant 4 : i32
      %shift_right_logical3A_128 = vector.broadcast %shift_right_logical3A_127 : i32 to vector<16xi32>
      %shift_right_logical3A_129 = arith.shrui %get3A_126, %shift_right_logical3A_128 : vector<16xi32>
      %and3A_130 = arith.constant 15 : i32
      %and3A_131 = vector.broadcast %and3A_130 : i32 to vector<16xi32>
      %and3A_132 = arith.andi %get3A_126, %and3A_131 : vector<16xi32>
      tpu.vector_store_idx %arg11[%shift_right_logical3A_129, %and3A_132], %broadcast_in_dim3A_3 {add = true} : memref<632x16xf32, #tpu.memory_space<vmem>>[vector<16xi32>, vector<16xi32>], vector<16xf32>,
      %get3A_133 = arith.index_cast %add3A_77 : i32 to index
      %get3A_134 = arith.constant 48 : index
      %get3A_135 = tpu.vector_load %arg9[%get3A_133, %get3A_134] {strides = array<i32>} : memref<80x128xi32, #tpu.memory_space<vmem>>, vector<16xi32>,
      %shift_right_logical3A_136 = arith.constant 4 : i32
      %shift_right_logical3A_137 = vector.broadcast %shift_right_logical3A_136 : i32 to vector<16xi32>
      %shift_right_logical3A_138 = arith.shrui %get3A_135, %shift_right_logical3A_137 : vector<16xi32>
      %and3A_139 = arith.constant 15 : i32
      %and3A_140 = vector.broadcast %and3A_139 : i32 to vector<16xi32>
      %and3A_141 = arith.andi %get3A_135, %and3A_140 : vector<16xi32>
      tpu.vector_store_idx %arg11[%shift_right_logical3A_138, %and3A_141], %broadcast_in_dim3A_3 {add = true} : memref<632x16xf32, #tpu.memory_space<vmem>>[vector<16xi32>, vector<16xi32>], vector<16xf32>,
      %get3A_142 = arith.index_cast %add3A_77 : i32 to index
      %get3A_143 = arith.constant 64 : index
      %get3A_144 = tpu.vector_load %arg9[%get3A_142, %get3A_143] {strides = array<i32>} : memref<80x128xi32, #tpu.memory_space<vmem>>, vector<16xi32>,
      %shift_right_logical3A_145 = arith.constant 4 : i32
      %shift_right_logical3A_146 = vector.broadcast %shift_right_logical3A_145 : i32 to vector<16xi32>
      %shift_right_logical3A_147 = arith.shrui %get3A_144, %shift_right_logical3A_146 : vector<16xi32>
      %and3A_148 = arith.constant 15 : i32
      %and3A_149 = vector.broadcast %and3A_148 : i32 to vector<16xi32>
      %and3A_150 = arith.andi %get3A_144, %and3A_149 : vector<16xi32>
      tpu.vector_store_idx %arg11[%shift_right_logical3A_147, %and3A_150], %broadcast_in_dim3A_3 {add = true} : memref<632x16xf32, #tpu.memory_space<vmem>>[vector<16xi32>, vector<16xi32>], vector<16xf32>,
      %get3A_151 = arith.index_cast %add3A_77 : i32 to index
      %get3A_152 = arith.constant 80 : index
      %get3A_153 = tpu.vector_load %arg9[%get3A_151, %get3A_152] {strides = array<i32>} : memref<80x128xi32, #tpu.memory_space<vmem>>, vector<16xi32>,
      %shift_right_logical3A_154 = arith.constant 4 : i32
      %shift_right_logical3A_155 = vector.broadcast %shift_right_logical3A_154 : i32 to vector<16xi32>
      %shift_right_logical3A_156 = arith.shrui %get3A_153, %shift_right_logical3A_155 : vector<16xi32>
      %and3A_157 = arith.constant 15 : i32
      %and3A_158 = vector.broadcast %and3A_157 : i32 to vector<16xi32>
      %and3A_159 = arith.andi %get3A_153, %and3A_158 : vector<16xi32>
      tpu.vector_store_idx %arg11[%shift_right_logical3A_156, %and3A_159], %broadcast_in_dim3A_3 {add = true} : memref<632x16xf32, #tpu.memory_space<vmem>>[vector<16xi32>, vector<16xi32>], vector<16xf32>,
      %get3A_160 = arith.index_cast %add3A_77 : i32 to index
      %get3A_161 = arith.constant 96 : index
      %get3A_162 = tpu.vector_load %arg9[%get3A_160, %get3A_161] {strides = array<i32>} : memref<80x128xi32, #tpu.memory_space<vmem>>, vector<16xi32>,
      %shift_right_logical3A_163 = arith.constant 4 : i32
      %shift_right_logical3A_164 = vector.broadcast %shift_right_logical3A_163 : i32 to vector<16xi32>
      %shift_right_logical3A_165 = arith.shrui %get3A_162, %shift_right_logical3A_164 : vector<16xi32>
      %and3A_166 = arith.constant 15 : i32
      %and3A_167 = vector.broadcast %and3A_166 : i32 to vector<16xi32>
      %and3A_168 = arith.andi %get3A_162, %and3A_167 : vector<16xi32>
      tpu.vector_store_idx %arg11[%shift_right_logical3A_165, %and3A_168], %broadcast_in_dim3A_3 {add = true} : memref<632x16xf32, #tpu.memory_space<vmem>>[vector<16xi32>, vector<16xi32>], vector<16xf32>,
      %get3A_169 = arith.index_cast %add3A_77 : i32 to index
      %get3A_170 = arith.constant 112 : index
      %get3A_171 = tpu.vector_load %arg9[%get3A_169, %get3A_170] {strides = array<i32>} : memref<80x128xi32, #tpu.memory_space<vmem>>, vector<16xi32>,
      %shift_right_logical3A_172 = arith.constant 4 : i32
      %shift_right_logical3A_173 = vector.broadcast %shift_right_logical3A_172 : i32 to vector<16xi32>
      %shift_right_logical3A_174 = arith.shrui %get3A_171, %shift_right_logical3A_173 : vector<16xi32>
      %and3A_175 = arith.constant 15 : i32
      %and3A_176 = vector.broadcast %and3A_175 : i32 to vector<16xi32>
      %and3A_177 = arith.andi %get3A_171, %and3A_176 : vector<16xi32>
      tpu.vector_store_idx %arg11[%shift_right_logical3A_174, %and3A_177], %broadcast_in_dim3A_3 {add = true} : memref<632x16xf32, #tpu.memory_space<vmem>>[vector<16xi32>, vector<16xi32>], vector<16xf32>,
      %add3A_178 = arith.constant 1 : i32
      %add3A_179 = arith.addi %mul3A_12, %add3A_178 : i32
      %dma_wait3A_180 = arith.constant 1 : i32
      %dma_wait3A_181 = arith.constant 1 : i32
      %dma_wait3A_182 = arith.constant 0 : i32
      %dma_wait3A_183 = arith.constant 0 : i32
      %dma_wait3A_184 = tpu.memref_slice %arg10[%dma_wait3A_180, %dma_wait3A_182, %dma_wait3A_183] : memref<4x128x16xf32, #tpu.memory_space<vmem>> -> memref<1x128x16xf32, #tpu.memory_space<vmem>>
      %dma_wait3A_185 = tpu.memref_squeeze %dma_wait3A_184 : memref<1x128x16xf32, #tpu.memory_space<vmem>> -> memref<128x16xf32, #tpu.memory_space<vmem>>
      %dma_wait3A_186 = arith.constant 0 : i32
      %dma_wait3A_187 = arith.constant 0 : i32
      %dma_wait3A_188 = tpu.memref_slice %arg5[%dma_wait3A_186, %dma_wait3A_187] : memref<10112x16xf32, #tpu.memory_space<hbm>> -> memref<128x16xf32, #tpu.memory_space<hbm>>
      %dma_wait3A_189 = tpu.memref_slice %arg14[%dma_wait3A_181] : memref<4x!tpu.dma_semaphore, #tpu.memory_space<semaphore_mem>> -> memref<1x!tpu.dma_semaphore, #tpu.memory_space<semaphore_mem>>
      %dma_wait3A_190 = tpu.memref_squeeze %dma_wait3A_189 : memref<1x!tpu.dma_semaphore, #tpu.memory_space<semaphore_mem>> -> memref<!tpu.dma_semaphore, #tpu.memory_space<semaphore_mem>>
      %dma_wait3A_191 = arith.constant 0 : i32
      %dma_wait3A_192 = arith.constant 0 : i32
      %dma_wait3A_193 = tpu.memref_slice %arg10[%dma_wait3A_180, %dma_wait3A_191, %dma_wait3A_192] : memref<4x128x16xf32, #tpu.memory_space<vmem>> -> memref<1x128x16xf32, #tpu.memory_space<vmem>>
      %dma_wait3A_194 = tpu.memref_squeeze %dma_wait3A_193 : memref<1x128x16xf32, #tpu.memory_space<vmem>> -> memref<128x16xf32, #tpu.memory_space<vmem>>
      %dma_wait3A_195 = arith.constant 0 : i32
      %dma_wait3A_196 = arith.constant 0 : i32
      %dma_wait3A_197 = tpu.memref_slice %arg5[%dma_wait3A_195, %dma_wait3A_196] : memref<10112x16xf32, #tpu.memory_space<hbm>> -> memref<128x16xf32, #tpu.memory_space<hbm>>
      tpu.wait_dma2 semaphore(%dma_wait3A_190 : memref<!tpu.dma_semaphore, #tpu.memory_space<semaphore_mem>>) src(%dma_wait3A_197 : memref<128x16xf32, #tpu.memory_space<hbm>>) dst(%dma_wait3A_194 : memref<128x16xf32, #tpu.memory_space<vmem>>)
      %dma_start3A_198 = arith.constant 1 : i32
      %dma_start3A_199 = arith.constant 1 : i32
      %dma_start3A_200 = arith.constant 0 : i32
      %dma_start3A_201 = arith.constant 0 : i32
      %dma_start3A_202 = tpu.memref_slice %arg10[%dma_start3A_198, %dma_start3A_200, %dma_start3A_201] : memref<4x128x16xf32, #tpu.memory_space<vmem>> -> memref<1x128x16xf32, #tpu.memory_space<vmem>>
      %dma_start3A_203 = tpu.memref_squeeze %dma_start3A_202 : memref<1x128x16xf32, #tpu.memory_space<vmem>> -> memref<128x16xf32, #tpu.memory_space<vmem>>
      %dma_start3A_204 = arith.constant 0 : i32
      %dma_start3A_205 = tpu.memref_slice %arg9[%add3A_179, %dma_start3A_204] : memref<80x128xi32, #tpu.memory_space<vmem>> -> memref<1x128xi32, #tpu.memory_space<vmem>>
      %dma_start3A_206 = tpu.memref_squeeze %dma_start3A_205 : memref<1x128xi32, #tpu.memory_space<vmem>> -> memref<128xi32, #tpu.memory_space<vmem>>
      %dma_start3A_207 = arith.constant 0 : i32
      %dma_start3A_208 = arith.constant 0 : i32
      %dma_start3A_209 = tpu.memref_slice %arg12[%dma_start3A_207, %dma_start3A_208] : memref<10112x16xf32, #tpu.memory_space<vmem_shared>> -> memref<10112x16xf32, #tpu.memory_space<vmem_shared>>
      %dma_start3A_210 = tpu.memref_slice %arg15[%dma_start3A_199] : memref<4x!tpu.dma_semaphore, #tpu.memory_space<semaphore_mem>> -> memref<1x!tpu.dma_semaphore, #tpu.memory_space<semaphore_mem>>
      %dma_start3A_211 = tpu.memref_squeeze %dma_start3A_210 : memref<1x!tpu.dma_semaphore, #tpu.memory_space<semaphore_mem>> -> memref<!tpu.dma_semaphore, #tpu.memory_space<semaphore_mem>>
      tpu.enqueue_indirect_dma source(%dma_start3A_203 : memref<128x16xf32, #tpu.memory_space<vmem>>) target(%dma_start3A_209 : memref<10112x16xf32, #tpu.memory_space<vmem_shared>>) offsets(%dma_start3A_206 : memref<128xi32, #tpu.memory_space<vmem>>) semaphore(%dma_start3A_211 : memref<!tpu.dma_semaphore, #tpu.memory_space<semaphore_mem>>) {add = true}
      %get3A_212 = arith.index_cast %add3A_179 : i32 to index
      %get3A_213 = arith.constant 0 : index
      %get3A_214 = tpu.vector_load %arg9[%get3A_212, %get3A_213] {strides = array<i32>} : memref<80x128xi32, #tpu.memory_space<vmem>>, vector<16xi32>,
      %shift_right_logical3A_215 = arith.constant 4 : i32
      %shift_right_logical3A_216 = vector.broadcast %shift_right_logical3A_215 : i32 to vector<16xi32>
      %shift_right_logical3A_217 = arith.shrui %get3A_214, %shift_right_logical3A_216 : vector<16xi32>
      %and3A_218 = arith.constant 15 : i32
      %and3A_219 = vector.broadcast %and3A_218 : i32 to vector<16xi32>
      %and3A_220 = arith.andi %get3A_214, %and3A_219 : vector<16xi32>
      tpu.vector_store_idx %arg11[%shift_right_logical3A_217, %and3A_220], %broadcast_in_dim3A_3 {add = true} : memref<632x16xf32, #tpu.memory_space<vmem>>[vector<16xi32>, vector<16xi32>], vector<16xf32>,
      %get3A_221 = arith.index_cast %add3A_179 : i32 to index
      %get3A_222 = arith.constant 16 : index
      %get3A_223 = tpu.vector_load %arg9[%get3A_221, %get3A_222] {strides = array<i32>} : memref<80x128xi32, #tpu.memory_space<vmem>>, vector<16xi32>,
      %shift_right_logical3A_224 = arith.constant 4 : i32
      %shift_right_logical3A_225 = vector.broadcast %shift_right_logical3A_224 : i32 to vector<16xi32>
      %shift_right_logical3A_226 = arith.shrui %get3A_223, %shift_right_logical3A_225 : vector<16xi32>
      %and3A_227 = arith.constant 15 : i32
      %and3A_228 = vector.broadcast %and3A_227 : i32 to vector<16xi32>
      %and3A_229 = arith.andi %get3A_223, %and3A_228 : vector<16xi32>
      tpu.vector_store_idx %arg11[%shift_right_logical3A_226, %and3A_229], %broadcast_in_dim3A_3 {add = true} : memref<632x16xf32, #tpu.memory_space<vmem>>[vector<16xi32>, vector<16xi32>], vector<16xf32>,
      %get3A_230 = arith.index_cast %add3A_179 : i32 to index
      %get3A_231 = arith.constant 32 : index
      %get3A_232 = tpu.vector_load %arg9[%get3A_230, %get3A_231] {strides = array<i32>} : memref<80x128xi32, #tpu.memory_space<vmem>>, vector<16xi32>,
      %shift_right_logical3A_233 = arith.constant 4 : i32
      %shift_right_logical3A_234 = vector.broadcast %shift_right_logical3A_233 : i32 to vector<16xi32>
      %shift_right_logical3A_235 = arith.shrui %get3A_232, %shift_right_logical3A_234 : vector<16xi32>
      %and3A_236 = arith.constant 15 : i32
      %and3A_237 = vector.broadcast %and3A_236 : i32 to vector<16xi32>
      %and3A_238 = arith.andi %get3A_232, %and3A_237 : vector<16xi32>
      tpu.vector_store_idx %arg11[%shift_right_logical3A_235, %and3A_238], %broadcast_in_dim3A_3 {add = true} : memref<632x16xf32, #tpu.memory_space<vmem>>[vector<16xi32>, vector<16xi32>], vector<16xf32>,
      %get3A_239 = arith.index_cast %add3A_179 : i32 to index
      %get3A_240 = arith.constant 48 : index
      %get3A_241 = tpu.vector_load %arg9[%get3A_239, %get3A_240] {strides = array<i32>} : memref<80x128xi32, #tpu.memory_space<vmem>>, vector<16xi32>,
      %shift_right_logical3A_242 = arith.constant 4 : i32
      %shift_right_logical3A_243 = vector.broadcast %shift_right_logical3A_242 : i32 to vector<16xi32>
      %shift_right_logical3A_244 = arith.shrui %get3A_241, %shift_right_logical3A_243 : vector<16xi32>
      %and3A_245 = arith.constant 15 : i32
      %and3A_246 = vector.broadcast %and3A_245 : i32 to vector<16xi32>
      %and3A_247 = arith.andi %get3A_241, %and3A_246 : vector<16xi32>
      tpu.vector_store_idx %arg11[%shift_right_logical3A_244, %and3A_247], %broadcast_in_dim3A_3 {add = true} : memref<632x16xf32, #tpu.memory_space<vmem>>[vector<16xi32>, vector<16xi32>], vector<16xf32>,
      %get3A_248 = arith.index_cast %add3A_179 : i32 to index
      %get3A_249 = arith.constant 64 : index
      %get3A_250 = tpu.vector_load %arg9[%get3A_248, %get3A_249] {strides = array<i32>} : memref<80x128xi32, #tpu.memory_space<vmem>>, vector<16xi32>,
      %shift_right_logical3A_251 = arith.constant 4 : i32
      %shift_right_logical3A_252 = vector.broadcast %shift_right_logical3A_251 : i32 to vector<16xi32>
      %shift_right_logical3A_253 = arith.shrui %get3A_250, %shift_right_logical3A_252 : vector<16xi32>
      %and3A_254 = arith.constant 15 : i32
      %and3A_255 = vector.broadcast %and3A_254 : i32 to vector<16xi32>
      %and3A_256 = arith.andi %get3A_250, %and3A_255 : vector<16xi32>
      tpu.vector_store_idx %arg11[%shift_right_logical3A_253, %and3A_256], %broadcast_in_dim3A_3 {add = true} : memref<632x16xf32, #tpu.memory_space<vmem>>[vector<16xi32>, vector<16xi32>], vector<16xf32>,
      %get3A_257 = arith.index_cast %add3A_179 : i32 to index
      %get3A_258 = arith.constant 80 : index
      %get3A_259 = tpu.vector_load %arg9[%get3A_257, %get3A_258] {strides = array<i32>} : memref<80x128xi32, #tpu.memory_space<vmem>>, vector<16xi32>,
      %shift_right_logical3A_260 = arith.constant 4 : i32
      %shift_right_logical3A_261 = vector.broadcast %shift_right_logical3A_260 : i32 to vector<16xi32>
      %shift_right_logical3A_262 = arith.shrui %get3A_259, %shift_right_logical3A_261 : vector<16xi32>
      %and3A_263 = arith.constant 15 : i32
      %and3A_264 = vector.broadcast %and3A_263 : i32 to vector<16xi32>
      %and3A_265 = arith.andi %get3A_259, %and3A_264 : vector<16xi32>
      tpu.vector_store_idx %arg11[%shift_right_logical3A_262, %and3A_265], %broadcast_in_dim3A_3 {add = true} : memref<632x16xf32, #tpu.memory_space<vmem>>[vector<16xi32>, vector<16xi32>], vector<16xf32>,
      %get3A_266 = arith.index_cast %add3A_179 : i32 to index
      %get3A_267 = arith.constant 96 : index
      %get3A_268 = tpu.vector_load %arg9[%get3A_266, %get3A_267] {strides = array<i32>} : memref<80x128xi32, #tpu.memory_space<vmem>>, vector<16xi32>,
      %shift_right_logical3A_269 = arith.constant 4 : i32
      %shift_right_logical3A_270 = vector.broadcast %shift_right_logical3A_269 : i32 to vector<16xi32>
      %shift_right_logical3A_271 = arith.shrui %get3A_268, %shift_right_logical3A_270 : vector<16xi32>
      %and3A_272 = arith.constant 15 : i32
      %and3A_273 = vector.broadcast %and3A_272 : i32 to vector<16xi32>
      %and3A_274 = arith.andi %get3A_268, %and3A_273 : vector<16xi32>
      tpu.vector_store_idx %arg11[%shift_right_logical3A_271, %and3A_274], %broadcast_in_dim3A_3 {add = true} : memref<632x16xf32, #tpu.memory_space<vmem>>[vector<16xi32>, vector<16xi32>], vector<16xf32>,
      %get3A_275 = arith.index_cast %add3A_179 : i32 to index
      %get3A_276 = arith.constant 112 : index
      %get3A_277 = tpu.vector_load %arg9[%get3A_275, %get3A_276] {strides = array<i32>} : memref<80x128xi32, #tpu.memory_space<vmem>>, vector<16xi32>,
      %shift_right_logical3A_278 = arith.constant 4 : i32
      %shift_right_logical3A_279 = vector.broadcast %shift_right_logical3A_278 : i32 to vector<16xi32>
      %shift_right_logical3A_280 = arith.shrui %get3A_277, %shift_right_logical3A_279 : vector<16xi32>
      %and3A_281 = arith.constant 15 : i32
      %and3A_282 = vector.broadcast %and3A_281 : i32 to vector<16xi32>
      %and3A_283 = arith.andi %get3A_277, %and3A_282 : vector<16xi32>
      tpu.vector_store_idx %arg11[%shift_right_logical3A_280, %and3A_283], %broadcast_in_dim3A_3 {add = true} : memref<632x16xf32, #tpu.memory_space<vmem>>[vector<16xi32>, vector<16xi32>], vector<16xf32>,
      %add3A_284 = arith.constant 2 : i32
      %add3A_285 = arith.addi %mul3A_12, %add3A_284 : i32
      %dma_wait3A_286 = arith.constant 2 : i32
      %dma_wait3A_287 = arith.constant 2 : i32
      %dma_wait3A_288 = arith.constant 0 : i32
      %dma_wait3A_289 = arith.constant 0 : i32
      %dma_wait3A_290 = tpu.memref_slice %arg10[%dma_wait3A_286, %dma_wait3A_288, %dma_wait3A_289] : memref<4x128x16xf32, #tpu.memory_space<vmem>> -> memref<1x128x16xf32, #tpu.memory_space<vmem>>
      %dma_wait3A_291 = tpu.memref_squeeze %dma_wait3A_290 : memref<1x128x16xf32, #tpu.memory_space<vmem>> -> memref<128x16xf32, #tpu.memory_space<vmem>>
      %dma_wait3A_292 = arith.constant 0 : i32
      %dma_wait3A_293 = arith.constant 0 : i32
      %dma_wait3A_294 = tpu.memref_slice %arg5[%dma_wait3A_292, %dma_wait3A_293] : memref<10112x16xf32, #tpu.memory_space<hbm>> -> memref<128x16xf32, #tpu.memory_space<hbm>>
      %dma_wait3A_295 = tpu.memref_slice %arg14[%dma_wait3A_287] : memref<4x!tpu.dma_semaphore, #tpu.memory_space<semaphore_mem>> -> memref<1x!tpu.dma_semaphore, #tpu.memory_space<semaphore_mem>>
      %dma_wait3A_296 = tpu.memref_squeeze %dma_wait3A_295 : memref<1x!tpu.dma_semaphore, #tpu.memory_space<semaphore_mem>> -> memref<!tpu.dma_semaphore, #tpu.memory_space<semaphore_mem>>
      %dma_wait3A_297 = arith.constant 0 : i32
      %dma_wait3A_298 = arith.constant 0 : i32
      %dma_wait3A_299 = tpu.memref_slice %arg10[%dma_wait3A_286, %dma_wait3A_297, %dma_wait3A_298] : memref<4x128x16xf32, #tpu.memory_space<vmem>> -> memref<1x128x16xf32, #tpu.memory_space<vmem>>
      %dma_wait3A_300 = tpu.memref_squeeze %dma_wait3A_299 : memref<1x128x16xf32, #tpu.memory_space<vmem>> -> memref<128x16xf32, #tpu.memory_space<vmem>>
      %dma_wait3A_301 = arith.constant 0 : i32
      %dma_wait3A_302 = arith.constant 0 : i32
      %dma_wait3A_303 = tpu.memref_slice %arg5[%dma_wait3A_301, %dma_wait3A_302] : memref<10112x16xf32, #tpu.memory_space<hbm>> -> memref<128x16xf32, #tpu.memory_space<hbm>>
      tpu.wait_dma2 semaphore(%dma_wait3A_296 : memref<!tpu.dma_semaphore, #tpu.memory_space<semaphore_mem>>) src(%dma_wait3A_303 : memref<128x16xf32, #tpu.memory_space<hbm>>) dst(%dma_wait3A_300 : memref<128x16xf32, #tpu.memory_space<vmem>>)
      %dma_start3A_304 = arith.constant 2 : i32
      %dma_start3A_305 = arith.constant 2 : i32
      %dma_start3A_306 = arith.constant 0 : i32
      %dma_start3A_307 = arith.constant 0 : i32
      %dma_start3A_308 = tpu.memref_slice %arg10[%dma_start3A_304, %dma_start3A_306, %dma_start3A_307] : memref<4x128x16xf32, #tpu.memory_space<vmem>> -> memref<1x128x16xf32, #tpu.memory_space<vmem>>
      %dma_start3A_309 = tpu.memref_squeeze %dma_start3A_308 : memref<1x128x16xf32, #tpu.memory_space<vmem>> -> memref<128x16xf32, #tpu.memory_space<vmem>>
      %dma_start3A_310 = arith.constant 0 : i32
      %dma_start3A_311 = tpu.memref_slice %arg9[%add3A_285, %dma_start3A_310] : memref<80x128xi32, #tpu.memory_space<vmem>> -> memref<1x128xi32, #tpu.memory_space<vmem>>
      %dma_start3A_312 = tpu.memref_squeeze %dma_start3A_311 : memref<1x128xi32, #tpu.memory_space<vmem>> -> memref<128xi32, #tpu.memory_space<vmem>>
      %dma_start3A_313 = arith.constant 0 : i32
      %dma_start3A_314 = arith.constant 0 : i32
      %dma_start3A_315 = tpu.memref_slice %arg12[%dma_start3A_313, %dma_start3A_314] : memref<10112x16xf32, #tpu.memory_space<vmem_shared>> -> memref<10112x16xf32, #tpu.memory_space<vmem_shared>>
      %dma_start3A_316 = tpu.memref_slice %arg15[%dma_start3A_305] : memref<4x!tpu.dma_semaphore, #tpu.memory_space<semaphore_mem>> -> memref<1x!tpu.dma_semaphore, #tpu.memory_space<semaphore_mem>>
      %dma_start3A_317 = tpu.memref_squeeze %dma_start3A_316 : memref<1x!tpu.dma_semaphore, #tpu.memory_space<semaphore_mem>> -> memref<!tpu.dma_semaphore, #tpu.memory_space<semaphore_mem>>
      tpu.enqueue_indirect_dma source(%dma_start3A_309 : memref<128x16xf32, #tpu.memory_space<vmem>>) target(%dma_start3A_315 : memref<10112x16xf32, #tpu.memory_space<vmem_shared>>) offsets(%dma_start3A_312 : memref<128xi32, #tpu.memory_space<vmem>>) semaphore(%dma_start3A_317 : memref<!tpu.dma_semaphore, #tpu.memory_space<semaphore_mem>>) {add = true}
      %get3A_318 = arith.index_cast %add3A_285 : i32 to index
      %get3A_319 = arith.constant 0 : index
      %get3A_320 = tpu.vector_load %arg9[%get3A_318, %get3A_319] {strides = array<i32>} : memref<80x128xi32, #tpu.memory_space<vmem>>, vector<16xi32>,
      %shift_right_logical3A_321 = arith.constant 4 : i32
      %shift_right_logical3A_322 = vector.broadcast %shift_right_logical3A_321 : i32 to vector<16xi32>
      %shift_right_logical3A_323 = arith.shrui %get3A_320, %shift_right_logical3A_322 : vector<16xi32>
      %and3A_324 = arith.constant 15 : i32
      %and3A_325 = vector.broadcast %and3A_324 : i32 to vector<16xi32>
      %and3A_326 = arith.andi %get3A_320, %and3A_325 : vector<16xi32>
      tpu.vector_store_idx %arg11[%shift_right_logical3A_323, %and3A_326], %broadcast_in_dim3A_3 {add = true} : memref<632x16xf32, #tpu.memory_space<vmem>>[vector<16xi32>, vector<16xi32>], vector<16xf32>,
      %get3A_327 = arith.index_cast %add3A_285 : i32 to index
      %get3A_328 = arith.constant 16 : index
      %get3A_329 = tpu.vector_load %arg9[%get3A_327, %get3A_328] {strides = array<i32>} : memref<80x128xi32, #tpu.memory_space<vmem>>, vector<16xi32>,
      %shift_right_logical3A_330 = arith.constant 4 : i32
      %shift_right_logical3A_331 = vector.broadcast %shift_right_logical3A_330 : i32 to vector<16xi32>
      %shift_right_logical3A_332 = arith.shrui %get3A_329, %shift_right_logical3A_331 : vector<16xi32>
      %and3A_333 = arith.constant 15 : i32
      %and3A_334 = vector.broadcast %and3A_333 : i32 to vector<16xi32>
      %and3A_335 = arith.andi %get3A_329, %and3A_334 : vector<16xi32>
      tpu.vector_store_idx %arg11[%shift_right_logical3A_332, %and3A_335], %broadcast_in_dim3A_3 {add = true} : memref<632x16xf32, #tpu.memory_space<vmem>>[vector<16xi32>, vector<16xi32>], vector<16xf32>,
      %get3A_336 = arith.index_cast %add3A_285 : i32 to index
      %get3A_337 = arith.constant 32 : index
      %get3A_338 = tpu.vector_load %arg9[%get3A_336, %get3A_337] {strides = array<i32>} : memref<80x128xi32, #tpu.memory_space<vmem>>, vector<16xi32>,
      %shift_right_logical3A_339 = arith.constant 4 : i32
      %shift_right_logical3A_340 = vector.broadcast %shift_right_logical3A_339 : i32 to vector<16xi32>
      %shift_right_logical3A_341 = arith.shrui %get3A_338, %shift_right_logical3A_340 : vector<16xi32>
      %and3A_342 = arith.constant 15 : i32
      %and3A_343 = vector.broadcast %and3A_342 : i32 to vector<16xi32>
      %and3A_344 = arith.andi %get3A_338, %and3A_343 : vector<16xi32>
      tpu.vector_store_idx %arg11[%shift_right_logical3A_341, %and3A_344], %broadcast_in_dim3A_3 {add = true} : memref<632x16xf32, #tpu.memory_space<vmem>>[vector<16xi32>, vector<16xi32>], vector<16xf32>,
      %get3A_345 = arith.index_cast %add3A_285 : i32 to index
      %get3A_346 = arith.constant 48 : index
      %get3A_347 = tpu.vector_load %arg9[%get3A_345, %get3A_346] {strides = array<i32>} : memref<80x128xi32, #tpu.memory_space<vmem>>, vector<16xi32>,
      %shift_right_logical3A_348 = arith.constant 4 : i32
      %shift_right_logical3A_349 = vector.broadcast %shift_right_logical3A_348 : i32 to vector<16xi32>
      %shift_right_logical3A_350 = arith.shrui %get3A_347, %shift_right_logical3A_349 : vector<16xi32>
      %and3A_351 = arith.constant 15 : i32
      %and3A_352 = vector.broadcast %and3A_351 : i32 to vector<16xi32>
      %and3A_353 = arith.andi %get3A_347, %and3A_352 : vector<16xi32>
      tpu.vector_store_idx %arg11[%shift_right_logical3A_350, %and3A_353], %broadcast_in_dim3A_3 {add = true} : memref<632x16xf32, #tpu.memory_space<vmem>>[vector<16xi32>, vector<16xi32>], vector<16xf32>,
      %get3A_354 = arith.index_cast %add3A_285 : i32 to index
      %get3A_355 = arith.constant 64 : index
      %get3A_356 = tpu.vector_load %arg9[%get3A_354, %get3A_355] {strides = array<i32>} : memref<80x128xi32, #tpu.memory_space<vmem>>, vector<16xi32>,
      %shift_right_logical3A_357 = arith.constant 4 : i32
      %shift_right_logical3A_358 = vector.broadcast %shift_right_logical3A_357 : i32 to vector<16xi32>
      %shift_right_logical3A_359 = arith.shrui %get3A_356, %shift_right_logical3A_358 : vector<16xi32>
      %and3A_360 = arith.constant 15 : i32
      %and3A_361 = vector.broadcast %and3A_360 : i32 to vector<16xi32>
      %and3A_362 = arith.andi %get3A_356, %and3A_361 : vector<16xi32>
      tpu.vector_store_idx %arg11[%shift_right_logical3A_359, %and3A_362], %broadcast_in_dim3A_3 {add = true} : memref<632x16xf32, #tpu.memory_space<vmem>>[vector<16xi32>, vector<16xi32>], vector<16xf32>,
      %get3A_363 = arith.index_cast %add3A_285 : i32 to index
      %get3A_364 = arith.constant 80 : index
      %get3A_365 = tpu.vector_load %arg9[%get3A_363, %get3A_364] {strides = array<i32>} : memref<80x128xi32, #tpu.memory_space<vmem>>, vector<16xi32>,
      %shift_right_logical3A_366 = arith.constant 4 : i32
      %shift_right_logical3A_367 = vector.broadcast %shift_right_logical3A_366 : i32 to vector<16xi32>
      %shift_right_logical3A_368 = arith.shrui %get3A_365, %shift_right_logical3A_367 : vector<16xi32>
      %and3A_369 = arith.constant 15 : i32
      %and3A_370 = vector.broadcast %and3A_369 : i32 to vector<16xi32>
      %and3A_371 = arith.andi %get3A_365, %and3A_370 : vector<16xi32>
      tpu.vector_store_idx %arg11[%shift_right_logical3A_368, %and3A_371], %broadcast_in_dim3A_3 {add = true} : memref<632x16xf32, #tpu.memory_space<vmem>>[vector<16xi32>, vector<16xi32>], vector<16xf32>,
      %get3A_372 = arith.index_cast %add3A_285 : i32 to index
      %get3A_373 = arith.constant 96 : index
      %get3A_374 = tpu.vector_load %arg9[%get3A_372, %get3A_373] {strides = array<i32>} : memref<80x128xi32, #tpu.memory_space<vmem>>, vector<16xi32>,
      %shift_right_logical3A_375 = arith.constant 4 : i32
      %shift_right_logical3A_376 = vector.broadcast %shift_right_logical3A_375 : i32 to vector<16xi32>
      %shift_right_logical3A_377 = arith.shrui %get3A_374, %shift_right_logical3A_376 : vector<16xi32>
      %and3A_378 = arith.constant 15 : i32
      %and3A_379 = vector.broadcast %and3A_378 : i32 to vector<16xi32>
      %and3A_380 = arith.andi %get3A_374, %and3A_379 : vector<16xi32>
      tpu.vector_store_idx %arg11[%shift_right_logical3A_377, %and3A_380], %broadcast_in_dim3A_3 {add = true} : memref<632x16xf32, #tpu.memory_space<vmem>>[vector<16xi32>, vector<16xi32>], vector<16xf32>,
      %get3A_381 = arith.index_cast %add3A_285 : i32 to index
      %get3A_382 = arith.constant 112 : index
      %get3A_383 = tpu.vector_load %arg9[%get3A_381, %get3A_382] {strides = array<i32>} : memref<80x128xi32, #tpu.memory_space<vmem>>, vector<16xi32>,
      %shift_right_logical3A_384 = arith.constant 4 : i32
      %shift_right_logical3A_385 = vector.broadcast %shift_right_logical3A_384 : i32 to vector<16xi32>
      %shift_right_logical3A_386 = arith.shrui %get3A_383, %shift_right_logical3A_385 : vector<16xi32>
      %and3A_387 = arith.constant 15 : i32
      %and3A_388 = vector.broadcast %and3A_387 : i32 to vector<16xi32>
      %and3A_389 = arith.andi %get3A_383, %and3A_388 : vector<16xi32>
      tpu.vector_store_idx %arg11[%shift_right_logical3A_386, %and3A_389], %broadcast_in_dim3A_3 {add = true} : memref<632x16xf32, #tpu.memory_space<vmem>>[vector<16xi32>, vector<16xi32>], vector<16xf32>,
      %add3A_390 = arith.constant 3 : i32
      %add3A_391 = arith.addi %mul3A_12, %add3A_390 : i32
      %dma_wait3A_392 = arith.constant 3 : i32
      %dma_wait3A_393 = arith.constant 3 : i32
      %dma_wait3A_394 = arith.constant 0 : i32
      %dma_wait3A_395 = arith.constant 0 : i32
      %dma_wait3A_396 = tpu.memref_slice %arg10[%dma_wait3A_392, %dma_wait3A_394, %dma_wait3A_395] : memref<4x128x16xf32, #tpu.memory_space<vmem>> -> memref<1x128x16xf32, #tpu.memory_space<vmem>>
      %dma_wait3A_397 = tpu.memref_squeeze %dma_wait3A_396 : memref<1x128x16xf32, #tpu.memory_space<vmem>> -> memref<128x16xf32, #tpu.memory_space<vmem>>
      %dma_wait3A_398 = arith.constant 0 : i32
      %dma_wait3A_399 = arith.constant 0 : i32
      %dma_wait3A_400 = tpu.memref_slice %arg5[%dma_wait3A_398, %dma_wait3A_399] : memref<10112x16xf32, #tpu.memory_space<hbm>> -> memref<128x16xf32, #tpu.memory_space<hbm>>
      %dma_wait3A_401 = tpu.memref_slice %arg14[%dma_wait3A_393] : memref<4x!tpu.dma_semaphore, #tpu.memory_space<semaphore_mem>> -> memref<1x!tpu.dma_semaphore, #tpu.memory_space<semaphore_mem>>
      %dma_wait3A_402 = tpu.memref_squeeze %dma_wait3A_401 : memref<1x!tpu.dma_semaphore, #tpu.memory_space<semaphore_mem>> -> memref<!tpu.dma_semaphore, #tpu.memory_space<semaphore_mem>>
      %dma_wait3A_403 = arith.constant 0 : i32
      %dma_wait3A_404 = arith.constant 0 : i32
      %dma_wait3A_405 = tpu.memref_slice %arg10[%dma_wait3A_392, %dma_wait3A_403, %dma_wait3A_404] : memref<4x128x16xf32, #tpu.memory_space<vmem>> -> memref<1x128x16xf32, #tpu.memory_space<vmem>>
      %dma_wait3A_406 = tpu.memref_squeeze %dma_wait3A_405 : memref<1x128x16xf32, #tpu.memory_space<vmem>> -> memref<128x16xf32, #tpu.memory_space<vmem>>
      %dma_wait3A_407 = arith.constant 0 : i32
      %dma_wait3A_408 = arith.constant 0 : i32
      %dma_wait3A_409 = tpu.memref_slice %arg5[%dma_wait3A_407, %dma_wait3A_408] : memref<10112x16xf32, #tpu.memory_space<hbm>> -> memref<128x16xf32, #tpu.memory_space<hbm>>
      tpu.wait_dma2 semaphore(%dma_wait3A_402 : memref<!tpu.dma_semaphore, #tpu.memory_space<semaphore_mem>>) src(%dma_wait3A_409 : memref<128x16xf32, #tpu.memory_space<hbm>>) dst(%dma_wait3A_406 : memref<128x16xf32, #tpu.memory_space<vmem>>)
      %dma_start3A_410 = arith.constant 3 : i32
      %dma_start3A_411 = arith.constant 3 : i32
      %dma_start3A_412 = arith.constant 0 : i32
      %dma_start3A_413 = arith.constant 0 : i32
      %dma_start3A_414 = tpu.memref_slice %arg10[%dma_start3A_410, %dma_start3A_412, %dma_start3A_413] : memref<4x128x16xf32, #tpu.memory_space<vmem>> -> memref<1x128x16xf32, #tpu.memory_space<vmem>>
      %dma_start3A_415 = tpu.memref_squeeze %dma_start3A_414 : memref<1x128x16xf32, #tpu.memory_space<vmem>> -> memref<128x16xf32, #tpu.memory_space<vmem>>
      %dma_start3A_416 = arith.constant 0 : i32
      %dma_start3A_417 = tpu.memref_slice %arg9[%add3A_391, %dma_start3A_416] : memref<80x128xi32, #tpu.memory_space<vmem>> -> memref<1x128xi32, #tpu.memory_space<vmem>>
      %dma_start3A_418 = tpu.memref_squeeze %dma_start3A_417 : memref<1x128xi32, #tpu.memory_space<vmem>> -> memref<128xi32, #tpu.memory_space<vmem>>
      %dma_start3A_419 = arith.constant 0 : i32
      %dma_start3A_420 = arith.constant 0 : i32
      %dma_start3A_421 = tpu.memref_slice %arg12[%dma_start3A_419, %dma_start3A_420] : memref<10112x16xf32, #tpu.memory_space<vmem_shared>> -> memref<10112x16xf32, #tpu.memory_space<vmem_shared>>
      %dma_start3A_422 = tpu.memref_slice %arg15[%dma_start3A_411] : memref<4x!tpu.dma_semaphore, #tpu.memory_space<semaphore_mem>> -> memref<1x!tpu.dma_semaphore, #tpu.memory_space<semaphore_mem>>
      %dma_start3A_423 = tpu.memref_squeeze %dma_start3A_422 : memref<1x!tpu.dma_semaphore, #tpu.memory_space<semaphore_mem>> -> memref<!tpu.dma_semaphore, #tpu.memory_space<semaphore_mem>>
      tpu.enqueue_indirect_dma source(%dma_start3A_415 : memref<128x16xf32, #tpu.memory_space<vmem>>) target(%dma_start3A_421 : memref<10112x16xf32, #tpu.memory_space<vmem_shared>>) offsets(%dma_start3A_418 : memref<128xi32, #tpu.memory_space<vmem>>) semaphore(%dma_start3A_423 : memref<!tpu.dma_semaphore, #tpu.memory_space<semaphore_mem>>) {add = true}
      %get3A_424 = arith.index_cast %add3A_391 : i32 to index
      %get3A_425 = arith.constant 0 : index
      %get3A_426 = tpu.vector_load %arg9[%get3A_424, %get3A_425] {strides = array<i32>} : memref<80x128xi32, #tpu.memory_space<vmem>>, vector<16xi32>,
      %shift_right_logical3A_427 = arith.constant 4 : i32
      %shift_right_logical3A_428 = vector.broadcast %shift_right_logical3A_427 : i32 to vector<16xi32>
      %shift_right_logical3A_429 = arith.shrui %get3A_426, %shift_right_logical3A_428 : vector<16xi32>
      %and3A_430 = arith.constant 15 : i32
      %and3A_431 = vector.broadcast %and3A_430 : i32 to vector<16xi32>
      %and3A_432 = arith.andi %get3A_426, %and3A_431 : vector<16xi32>
      tpu.vector_store_idx %arg11[%shift_right_logical3A_429, %and3A_432], %broadcast_in_dim3A_3 {add = true} : memref<632x16xf32, #tpu.memory_space<vmem>>[vector<16xi32>, vector<16xi32>], vector<16xf32>,
      %get3A_433 = arith.index_cast %add3A_391 : i32 to index
      %get3A_434 = arith.constant 16 : index
      %get3A_435 = tpu.vector_load %arg9[%get3A_433, %get3A_434] {strides = array<i32>} : memref<80x128xi32, #tpu.memory_space<vmem>>, vector<16xi32>,
      %shift_right_logical3A_436 = arith.constant 4 : i32
      %shift_right_logical3A_437 = vector.broadcast %shift_right_logical3A_436 : i32 to vector<16xi32>
      %shift_right_logical3A_438 = arith.shrui %get3A_435, %shift_right_logical3A_437 : vector<16xi32>
      %and3A_439 = arith.constant 15 : i32
      %and3A_440 = vector.broadcast %and3A_439 : i32 to vector<16xi32>
      %and3A_441 = arith.andi %get3A_435, %and3A_440 : vector<16xi32>
      tpu.vector_store_idx %arg11[%shift_right_logical3A_438, %and3A_441], %broadcast_in_dim3A_3 {add = true} : memref<632x16xf32, #tpu.memory_space<vmem>>[vector<16xi32>, vector<16xi32>], vector<16xf32>,
      %get3A_442 = arith.index_cast %add3A_391 : i32 to index
      %get3A_443 = arith.constant 32 : index
      %get3A_444 = tpu.vector_load %arg9[%get3A_442, %get3A_443] {strides = array<i32>} : memref<80x128xi32, #tpu.memory_space<vmem>>, vector<16xi32>,
      %shift_right_logical3A_445 = arith.constant 4 : i32
      %shift_right_logical3A_446 = vector.broadcast %shift_right_logical3A_445 : i32 to vector<16xi32>
      %shift_right_logical3A_447 = arith.shrui %get3A_444, %shift_right_logical3A_446 : vector<16xi32>
      %and3A_448 = arith.constant 15 : i32
      %and3A_449 = vector.broadcast %and3A_448 : i32 to vector<16xi32>
      %and3A_450 = arith.andi %get3A_444, %and3A_449 : vector<16xi32>
      tpu.vector_store_idx %arg11[%shift_right_logical3A_447, %and3A_450], %broadcast_in_dim3A_3 {add = true} : memref<632x16xf32, #tpu.memory_space<vmem>>[vector<16xi32>, vector<16xi32>], vector<16xf32>,
      %get3A_451 = arith.index_cast %add3A_391 : i32 to index
      %get3A_452 = arith.constant 48 : index
      %get3A_453 = tpu.vector_load %arg9[%get3A_451, %get3A_452] {strides = array<i32>} : memref<80x128xi32, #tpu.memory_space<vmem>>, vector<16xi32>,
      %shift_right_logical3A_454 = arith.constant 4 : i32
      %shift_right_logical3A_455 = vector.broadcast %shift_right_logical3A_454 : i32 to vector<16xi32>
      %shift_right_logical3A_456 = arith.shrui %get3A_453, %shift_right_logical3A_455 : vector<16xi32>
      %and3A_457 = arith.constant 15 : i32
      %and3A_458 = vector.broadcast %and3A_457 : i32 to vector<16xi32>
      %and3A_459 = arith.andi %get3A_453, %and3A_458 : vector<16xi32>
      tpu.vector_store_idx %arg11[%shift_right_logical3A_456, %and3A_459], %broadcast_in_dim3A_3 {add = true} : memref<632x16xf32, #tpu.memory_space<vmem>>[vector<16xi32>, vector<16xi32>], vector<16xf32>,
      %get3A_460 = arith.index_cast %add3A_391 : i32 to index
      %get3A_461 = arith.constant 64 : index
      %get3A_462 = tpu.vector_load %arg9[%get3A_460, %get3A_461] {strides = array<i32>} : memref<80x128xi32, #tpu.memory_space<vmem>>, vector<16xi32>,
      %shift_right_logical3A_463 = arith.constant 4 : i32
      %shift_right_logical3A_464 = vector.broadcast %shift_right_logical3A_463 : i32 to vector<16xi32>
      %shift_right_logical3A_465 = arith.shrui %get3A_462, %shift_right_logical3A_464 : vector<16xi32>
      %and3A_466 = arith.constant 15 : i32
      %and3A_467 = vector.broadcast %and3A_466 : i32 to vector<16xi32>
      %and3A_468 = arith.andi %get3A_462, %and3A_467 : vector<16xi32>
      tpu.vector_store_idx %arg11[%shift_right_logical3A_465, %and3A_468], %broadcast_in_dim3A_3 {add = true} : memref<632x16xf32, #tpu.memory_space<vmem>>[vector<16xi32>, vector<16xi32>], vector<16xf32>,
      %get3A_469 = arith.index_cast %add3A_391 : i32 to index
      %get3A_470 = arith.constant 80 : index
      %get3A_471 = tpu.vector_load %arg9[%get3A_469, %get3A_470] {strides = array<i32>} : memref<80x128xi32, #tpu.memory_space<vmem>>, vector<16xi32>,
      %shift_right_logical3A_472 = arith.constant 4 : i32
      %shift_right_logical3A_473 = vector.broadcast %shift_right_logical3A_472 : i32 to vector<16xi32>
      %shift_right_logical3A_474 = arith.shrui %get3A_471, %shift_right_logical3A_473 : vector<16xi32>
      %and3A_475 = arith.constant 15 : i32
      %and3A_476 = vector.broadcast %and3A_475 : i32 to vector<16xi32>
      %and3A_477 = arith.andi %get3A_471, %and3A_476 : vector<16xi32>
      tpu.vector_store_idx %arg11[%shift_right_logical3A_474, %and3A_477], %broadcast_in_dim3A_3 {add = true} : memref<632x16xf32, #tpu.memory_space<vmem>>[vector<16xi32>, vector<16xi32>], vector<16xf32>,
      %get3A_478 = arith.index_cast %add3A_391 : i32 to index
      %get3A_479 = arith.constant 96 : index
      %get3A_480 = tpu.vector_load %arg9[%get3A_478, %get3A_479] {strides = array<i32>} : memref<80x128xi32, #tpu.memory_space<vmem>>, vector<16xi32>,
      %shift_right_logical3A_481 = arith.constant 4 : i32
      %shift_right_logical3A_482 = vector.broadcast %shift_right_logical3A_481 : i32 to vector<16xi32>
      %shift_right_logical3A_483 = arith.shrui %get3A_480, %shift_right_logical3A_482 : vector<16xi32>
      %and3A_484 = arith.constant 15 : i32
      %and3A_485 = vector.broadcast %and3A_484 : i32 to vector<16xi32>
      %and3A_486 = arith.andi %get3A_480, %and3A_485 : vector<16xi32>
      tpu.vector_store_idx %arg11[%shift_right_logical3A_483, %and3A_486], %broadcast_in_dim3A_3 {add = true} : memref<632x16xf32, #tpu.memory_space<vmem>>[vector<16xi32>, vector<16xi32>], vector<16xf32>,
      %get3A_487 = arith.index_cast %add3A_391 : i32 to index
      %get3A_488 = arith.constant 112 : index
      %get3A_489 = tpu.vector_load %arg9[%get3A_487, %get3A_488] {strides = array<i32>} : memref<80x128xi32, #tpu.memory_space<vmem>>, vector<16xi32>,
      %shift_right_logical3A_490 = arith.constant 4 : i32
      %shift_right_logical3A_491 = vector.broadcast %shift_right_logical3A_490 : i32 to vector<16xi32>
      %shift_right_logical3A_492 = arith.shrui %get3A_489, %shift_right_logical3A_491 : vector<16xi32>
      %and3A_493 = arith.constant 15 : i32
      %and3A_494 = vector.broadcast %and3A_493 : i32 to vector<16xi32>
      %and3A_495 = arith.andi %get3A_489, %and3A_494 : vector<16xi32>
      tpu.vector_store_idx %arg11[%shift_right_logical3A_492, %and3A_495], %broadcast_in_dim3A_3 {add = true} : memref<632x16xf32, #tpu.memory_space<vmem>>[vector<16xi32>, vector<16xi32>], vector<16xf32>,
      %dma_wait3A_496 = arith.constant 0 : i32
      %dma_wait3A_497 = arith.constant 0 : i32
      %dma_wait3A_498 = arith.constant 0 : i32
      %dma_wait3A_499 = arith.constant 0 : i32
      %dma_wait3A_500 = tpu.memref_slice %arg10[%dma_wait3A_496, %dma_wait3A_498, %dma_wait3A_499] : memref<4x128x16xf32, #tpu.memory_space<vmem>> -> memref<1x128x16xf32, #tpu.memory_space<vmem>>
      %dma_wait3A_501 = tpu.memref_squeeze %dma_wait3A_500 : memref<1x128x16xf32, #tpu.memory_space<vmem>> -> memref<128x16xf32, #tpu.memory_space<vmem>>
      %dma_wait3A_502 = arith.constant 0 : i32
      %dma_wait3A_503 = arith.constant 0 : i32
      %dma_wait3A_504 = tpu.memref_slice %arg12[%dma_wait3A_502, %dma_wait3A_503] : memref<10112x16xf32, #tpu.memory_space<vmem_shared>> -> memref<128x16xf32, #tpu.memory_space<vmem_shared>>
      %dma_wait3A_505 = tpu.memref_slice %arg15[%dma_wait3A_497] : memref<4x!tpu.dma_semaphore, #tpu.memory_space<semaphore_mem>> -> memref<1x!tpu.dma_semaphore, #tpu.memory_space<semaphore_mem>>
      %dma_wait3A_506 = tpu.memref_squeeze %dma_wait3A_505 : memref<1x!tpu.dma_semaphore, #tpu.memory_space<semaphore_mem>> -> memref<!tpu.dma_semaphore, #tpu.memory_space<semaphore_mem>>
      %dma_wait3A_507 = arith.constant 0 : i32
      %dma_wait3A_508 = arith.constant 0 : i32
      %dma_wait3A_509 = tpu.memref_slice %arg12[%dma_wait3A_507, %dma_wait3A_508] : memref<10112x16xf32, #tpu.memory_space<vmem_shared>> -> memref<128x16xf32, #tpu.memory_space<vmem_shared>>
      %dma_wait3A_510 = arith.constant 0 : i32
      %dma_wait3A_511 = arith.constant 0 : i32
      %dma_wait3A_512 = tpu.memref_slice %arg10[%dma_wait3A_496, %dma_wait3A_510, %dma_wait3A_511] : memref<4x128x16xf32, #tpu.memory_space<vmem>> -> memref<1x128x16xf32, #tpu.memory_space<vmem>>
      %dma_wait3A_513 = tpu.memref_squeeze %dma_wait3A_512 : memref<1x128x16xf32, #tpu.memory_space<vmem>> -> memref<128x16xf32, #tpu.memory_space<vmem>>
      tpu.wait_dma2 semaphore(%dma_wait3A_506 : memref<!tpu.dma_semaphore, #tpu.memory_space<semaphore_mem>>) src(%dma_wait3A_513 : memref<128x16xf32, #tpu.memory_space<vmem>>) dst(%dma_wait3A_509 : memref<128x16xf32, #tpu.memory_space<vmem_shared>>)
      %dma_wait3A_514 = arith.constant 1 : i32
      %dma_wait3A_515 = arith.constant 1 : i32
      %dma_wait3A_516 = arith.constant 0 : i32
      %dma_wait3A_517 = arith.constant 0 : i32
      %dma_wait3A_518 = tpu.memref_slice %arg10[%dma_wait3A_514, %dma_wait3A_516, %dma_wait3A_517] : memref<4x128x16xf32, #tpu.memory_space<vmem>> -> memref<1x128x16xf32, #tpu.memory_space<vmem>>
      %dma_wait3A_519 = tpu.memref_squeeze %dma_wait3A_518 : memref<1x128x16xf32, #tpu.memory_space<vmem>> -> memref<128x16xf32, #tpu.memory_space<vmem>>
      %dma_wait3A_520 = arith.constant 0 : i32
      %dma_wait3A_521 = arith.constant 0 : i32
      %dma_wait3A_522 = tpu.memref_slice %arg12[%dma_wait3A_520, %dma_wait3A_521] : memref<10112x16xf32, #tpu.memory_space<vmem_shared>> -> memref<128x16xf32, #tpu.memory_space<vmem_shared>>
      %dma_wait3A_523 = tpu.memref_slice %arg15[%dma_wait3A_515] : memref<4x!tpu.dma_semaphore, #tpu.memory_space<semaphore_mem>> -> memref<1x!tpu.dma_semaphore, #tpu.memory_space<semaphore_mem>>
      %dma_wait3A_524 = tpu.memref_squeeze %dma_wait3A_523 : memref<1x!tpu.dma_semaphore, #tpu.memory_space<semaphore_mem>> -> memref<!tpu.dma_semaphore, #tpu.memory_space<semaphore_mem>>
      %dma_wait3A_525 = arith.constant 0 : i32
      %dma_wait3A_526 = arith.constant 0 : i32
      %dma_wait3A_527 = tpu.memref_slice %arg12[%dma_wait3A_525, %dma_wait3A_526] : memref<10112x16xf32, #tpu.memory_space<vmem_shared>> -> memref<128x16xf32, #tpu.memory_space<vmem_shared>>
      %dma_wait3A_528 = arith.constant 0 : i32
      %dma_wait3A_529 = arith.constant 0 : i32
      %dma_wait3A_530 = tpu.memref_slice %arg10[%dma_wait3A_514, %dma_wait3A_528, %dma_wait3A_529] : memref<4x128x16xf32, #tpu.memory_space<vmem>> -> memref<1x128x16xf32, #tpu.memory_space<vmem>>
      %dma_wait3A_531 = tpu.memref_squeeze %dma_wait3A_530 : memref<1x128x16xf32, #tpu.memory_space<vmem>> -> memref<128x16xf32, #tpu.memory_space<vmem>>
      tpu.wait_dma2 semaphore(%dma_wait3A_524 : memref<!tpu.dma_semaphore, #tpu.memory_space<semaphore_mem>>) src(%dma_wait3A_531 : memref<128x16xf32, #tpu.memory_space<vmem>>) dst(%dma_wait3A_527 : memref<128x16xf32, #tpu.memory_space<vmem_shared>>)
      %dma_wait3A_532 = arith.constant 2 : i32
      %dma_wait3A_533 = arith.constant 2 : i32
      %dma_wait3A_534 = arith.constant 0 : i32
      %dma_wait3A_535 = arith.constant 0 : i32
      %dma_wait3A_536 = tpu.memref_slice %arg10[%dma_wait3A_532, %dma_wait3A_534, %dma_wait3A_535] : memref<4x128x16xf32, #tpu.memory_space<vmem>> -> memref<1x128x16xf32, #tpu.memory_space<vmem>>
      %dma_wait3A_537 = tpu.memref_squeeze %dma_wait3A_536 : memref<1x128x16xf32, #tpu.memory_space<vmem>> -> memref<128x16xf32, #tpu.memory_space<vmem>>
      %dma_wait3A_538 = arith.constant 0 : i32
      %dma_wait3A_539 = arith.constant 0 : i32
      %dma_wait3A_540 = tpu.memref_slice %arg12[%dma_wait3A_538, %dma_wait3A_539] : memref<10112x16xf32, #tpu.memory_space<vmem_shared>> -> memref<128x16xf32, #tpu.memory_space<vmem_shared>>
      %dma_wait3A_541 = tpu.memref_slice %arg15[%dma_wait3A_533] : memref<4x!tpu.dma_semaphore, #tpu.memory_space<semaphore_mem>> -> memref<1x!tpu.dma_semaphore, #tpu.memory_space<semaphore_mem>>
      %dma_wait3A_542 = tpu.memref_squeeze %dma_wait3A_541 : memref<1x!tpu.dma_semaphore, #tpu.memory_space<semaphore_mem>> -> memref<!tpu.dma_semaphore, #tpu.memory_space<semaphore_mem>>
      %dma_wait3A_543 = arith.constant 0 : i32
      %dma_wait3A_544 = arith.constant 0 : i32
      %dma_wait3A_545 = tpu.memref_slice %arg12[%dma_wait3A_543, %dma_wait3A_544] : memref<10112x16xf32, #tpu.memory_space<vmem_shared>> -> memref<128x16xf32, #tpu.memory_space<vmem_shared>>
      %dma_wait3A_546 = arith.constant 0 : i32
      %dma_wait3A_547 = arith.constant 0 : i32
      %dma_wait3A_548 = tpu.memref_slice %arg10[%dma_wait3A_532, %dma_wait3A_546, %dma_wait3A_547] : memref<4x128x16xf32, #tpu.memory_space<vmem>> -> memref<1x128x16xf32, #tpu.memory_space<vmem>>
      %dma_wait3A_549 = tpu.memref_squeeze %dma_wait3A_548 : memref<1x128x16xf32, #tpu.memory_space<vmem>> -> memref<128x16xf32, #tpu.memory_space<vmem>>
      tpu.wait_dma2 semaphore(%dma_wait3A_542 : memref<!tpu.dma_semaphore, #tpu.memory_space<semaphore_mem>>) src(%dma_wait3A_549 : memref<128x16xf32, #tpu.memory_space<vmem>>) dst(%dma_wait3A_545 : memref<128x16xf32, #tpu.memory_space<vmem_shared>>)
      %dma_wait3A_550 = arith.constant 3 : i32
      %dma_wait3A_551 = arith.constant 3 : i32
      %dma_wait3A_552 = arith.constant 0 : i32
      %dma_wait3A_553 = arith.constant 0 : i32
      %dma_wait3A_554 = tpu.memref_slice %arg10[%dma_wait3A_550, %dma_wait3A_552, %dma_wait3A_553] : memref<4x128x16xf32, #tpu.memory_space<vmem>> -> memref<1x128x16xf32, #tpu.memory_space<vmem>>
      %dma_wait3A_555 = tpu.memref_squeeze %dma_wait3A_554 : memref<1x128x16xf32, #tpu.memory_space<vmem>> -> memref<128x16xf32, #tpu.memory_space<vmem>>
      %dma_wait3A_556 = arith.constant 0 : i32
      %dma_wait3A_557 = arith.constant 0 : i32
      %dma_wait3A_558 = tpu.memref_slice %arg12[%dma_wait3A_556, %dma_wait3A_557] : memref<10112x16xf32, #tpu.memory_space<vmem_shared>> -> memref<128x16xf32, #tpu.memory_space<vmem_shared>>
      %dma_wait3A_559 = tpu.memref_slice %arg15[%dma_wait3A_551] : memref<4x!tpu.dma_semaphore, #tpu.memory_space<semaphore_mem>> -> memref<1x!tpu.dma_semaphore, #tpu.memory_space<semaphore_mem>>
      %dma_wait3A_560 = tpu.memref_squeeze %dma_wait3A_559 : memref<1x!tpu.dma_semaphore, #tpu.memory_space<semaphore_mem>> -> memref<!tpu.dma_semaphore, #tpu.memory_space<semaphore_mem>>
      %dma_wait3A_561 = arith.constant 0 : i32
      %dma_wait3A_562 = arith.constant 0 : i32
      %dma_wait3A_563 = tpu.memref_slice %arg12[%dma_wait3A_561, %dma_wait3A_562] : memref<10112x16xf32, #tpu.memory_space<vmem_shared>> -> memref<128x16xf32, #tpu.memory_space<vmem_shared>>
      %dma_wait3A_564 = arith.constant 0 : i32
      %dma_wait3A_565 = arith.constant 0 : i32
      %dma_wait3A_566 = tpu.memref_slice %arg10[%dma_wait3A_550, %dma_wait3A_564, %dma_wait3A_565] : memref<4x128x16xf32, #tpu.memory_space<vmem>> -> memref<1x128x16xf32, #tpu.memory_space<vmem>>
      %dma_wait3A_567 = tpu.memref_squeeze %dma_wait3A_566 : memref<1x128x16xf32, #tpu.memory_space<vmem>> -> memref<128x16xf32, #tpu.memory_space<vmem>>
      tpu.wait_dma2 semaphore(%dma_wait3A_560 : memref<!tpu.dma_semaphore, #tpu.memory_space<semaphore_mem>>) src(%dma_wait3A_567 : memref<128x16xf32, #tpu.memory_space<vmem>>) dst(%dma_wait3A_563 : memref<128x16xf32, #tpu.memory_space<vmem_shared>>)
    }
    %scan3A_8 = arith.constant 20 : i32
    %barrier3A_9 = arith.constant 0 : index
    tpu.barrier barrier_id(%barrier3A_9)
    "tpu.region"() ({
      %run_scoped3A = tpu.sem_alloc : memref<!tpu.dma_semaphore, #tpu.memory_space<semaphore_mem>>
      %dma_start3A = arith.constant 0 : i32
      %dma_start3A_10 = tpu.memref_slice %arg6[%arg0, %mul3A_2, %dma_start3A] : memref<2x10112x16xf32, #tpu.memory_space<hbm>> -> memref<1x632x16xf32, #tpu.memory_space<hbm>>
      %dma_start3A_11 = tpu.memref_squeeze %dma_start3A_10 : memref<1x632x16xf32, #tpu.memory_space<hbm>> -> memref<632x16xf32, #tpu.memory_space<hbm>>
      %dma_start3A_12 = arith.constant 0 : i32
      %dma_start3A_13 = tpu.memref_slice %arg12[%mul3A_2, %dma_start3A_12] : memref<10112x16xf32, #tpu.memory_space<vmem_shared>> -> memref<632x16xf32, #tpu.memory_space<vmem_shared>>
      tpu.enqueue_dma source(%dma_start3A_13 : memref<632x16xf32, #tpu.memory_space<vmem_shared>>) target(%dma_start3A_11 : memref<632x16xf32, #tpu.memory_space<hbm>>) target_semaphore(%run_scoped3A : memref<!tpu.dma_semaphore, #tpu.memory_space<semaphore_mem>>)
      %dma_wait3A = arith.constant 0 : i32
      %dma_wait3A_14 = tpu.memref_slice %arg6[%arg0, %mul3A_2, %dma_wait3A] : memref<2x10112x16xf32, #tpu.memory_space<hbm>> -> memref<1x632x16xf32, #tpu.memory_space<hbm>>
      %dma_wait3A_15 = tpu.memref_squeeze %dma_wait3A_14 : memref<1x632x16xf32, #tpu.memory_space<hbm>> -> memref<632x16xf32, #tpu.memory_space<hbm>>
      %dma_wait3A_16 = arith.constant 0 : i32
      %dma_wait3A_17 = tpu.memref_slice %arg12[%mul3A_2, %dma_wait3A_16] : memref<10112x16xf32, #tpu.memory_space<vmem_shared>> -> memref<632x16xf32, #tpu.memory_space<vmem_shared>>
      tpu.wait_dma2 semaphore(%run_scoped3A : memref<!tpu.dma_semaphore, #tpu.memory_space<semaphore_mem>>) src(%dma_wait3A_17 : memref<632x16xf32, #tpu.memory_space<vmem_shared>>) dst(%dma_wait3A_15 : memref<632x16xf32, #tpu.memory_space<hbm>>)
      tpu.yield
    }) : () -> ()
    "tpu.region"() ({
      %run_scoped3A = tpu.sem_alloc : memref<!tpu.dma_semaphore, #tpu.memory_space<semaphore_mem>>
      %dma_start3A = arith.constant 0 : i32
      %dma_start3A_10 = arith.constant 0 : i32
      %dma_start3A_11 = tpu.memref_slice %arg7[%add3A, %dma_start3A, %dma_start3A_10] : memref<32x632x16xf32, #tpu.memory_space<hbm>> -> memref<1x632x16xf32, #tpu.memory_space<hbm>>
      %dma_start3A_12 = tpu.memref_squeeze %dma_start3A_11 : memref<1x632x16xf32, #tpu.memory_space<hbm>> -> memref<632x16xf32, #tpu.memory_space<hbm>>
      %dma_start3A_13 = arith.constant 0 : i32
      %dma_start3A_14 = arith.constant 0 : i32
      %dma_start3A_15 = tpu.memref_slice %arg7[%add3A, %dma_start3A_13, %dma_start3A_14] : memref<32x632x16xf32, #tpu.memory_space<hbm>> -> memref<1x632x16xf32, #tpu.memory_space<hbm>>
      %dma_start3A_16 = tpu.memref_squeeze %dma_start3A_15 : memref<1x632x16xf32, #tpu.memory_space<hbm>> -> memref<632x16xf32, #tpu.memory_space<hbm>>
      tpu.enqueue_dma source(%arg11 : memref<632x16xf32, #tpu.memory_space<vmem>>) target(%dma_start3A_16 : memref<632x16xf32, #tpu.memory_space<hbm>>) target_semaphore(%run_scoped3A : memref<!tpu.dma_semaphore, #tpu.memory_space<semaphore_mem>>)
      %dma_wait3A = arith.constant 0 : i32
      %dma_wait3A_17 = arith.constant 0 : i32
      %dma_wait3A_18 = tpu.memref_slice %arg7[%add3A, %dma_wait3A, %dma_wait3A_17] : memref<32x632x16xf32, #tpu.memory_space<hbm>> -> memref<1x632x16xf32, #tpu.memory_space<hbm>>
      %dma_wait3A_19 = tpu.memref_squeeze %dma_wait3A_18 : memref<1x632x16xf32, #tpu.memory_space<hbm>> -> memref<632x16xf32, #tpu.memory_space<hbm>>
      %dma_wait3A_20 = arith.constant 0 : i32
      %dma_wait3A_21 = arith.constant 0 : i32
      %dma_wait3A_22 = tpu.memref_slice %arg7[%add3A, %dma_wait3A_20, %dma_wait3A_21] : memref<32x632x16xf32, #tpu.memory_space<hbm>> -> memref<1x632x16xf32, #tpu.memory_space<hbm>>
      %dma_wait3A_23 = tpu.memref_squeeze %dma_wait3A_22 : memref<1x632x16xf32, #tpu.memory_space<hbm>> -> memref<632x16xf32, #tpu.memory_space<hbm>>
      tpu.wait_dma2 semaphore(%run_scoped3A : memref<!tpu.dma_semaphore, #tpu.memory_space<semaphore_mem>>) src(%arg11 : memref<632x16xf32, #tpu.memory_space<vmem>>) dst(%dma_wait3A_23 : memref<632x16xf32, #tpu.memory_space<hbm>>)
      tpu.yield
    }) : () -> ()
    return
  }
}

module attributes {stable_mosaic.version = 14 : i64} {
  func.func @_proj_body(%arg0: i32, %arg1: memref<1000x128xf32, #tpu.memory_space<vmem>>, %arg2: memref<128x16xf32, #tpu.memory_space<vmem>>, %arg3: memref<128x16xf32, #tpu.memory_space<vmem>>, %arg4: memref<1000x16xf32, #tpu.memory_space<vmem>>, %arg5: memref<1000x16xf32, #tpu.memory_space<vmem>>) attributes {dimension_semantics = [#tpu.dimension_semantics<arbitrary>], iteration_bounds = array<i64: 10>, scalar_prefetch = 0 : i64, scratch_operands = 0 : i64, tpu.core_type = #tpu.core_type<tc>, window_params = [{transform_indices = @transform_0, window_bounds = array<i64: 1000, 128>}, {pipeline_mode = #tpu.pipeline_mode<synchronous>, transform_indices = @transform_1, window_bounds = array<i64: 128, 16>}, {pipeline_mode = #tpu.pipeline_mode<synchronous>, transform_indices = @transform_2, window_bounds = array<i64: 128, 16>}, {transform_indices = @transform_3, window_bounds = array<i64: 1000, 16>}, {transform_indices = @transform_4, window_bounds = array<i64: 1000, 16>}]} {
    %get3A = arith.constant 0 : index
    %get3A_0 = arith.constant 0 : index
    %get3A_1 = vector.load %arg1[%get3A, %get3A_0] : memref<1000x128xf32, #tpu.memory_space<vmem>>, vector<1000x128xf32>
    %get3A_2 = arith.constant 0 : index
    %get3A_3 = arith.constant 0 : index
    %get3A_4 = vector.load %arg2[%get3A_2, %get3A_3] : memref<128x16xf32, #tpu.memory_space<vmem>>, vector<128x16xf32>
    %dot_general3A = arith.constant dense<0.000000e+00> : vector<1000x16xf32>
    %dot_general3A_5 = tpu.matmul %get3A_1, %get3A_4, %dot_general3A {dimension_numbers = #tpu.dot_dimension_numbers<[1], [0], [0], [1], [0, 0, 1, 1], [], []>, transpose_lhs_hint = false} : vector<1000x128xf32>, vector<128x16xf32>, vector<1000x16xf32> -> vector<1000x16xf32>
    %swap3A = arith.constant 0 : index
    %swap3A_6 = arith.constant 0 : index
    %swap3A_7 = vector.load %arg4[%swap3A, %swap3A_6] : memref<1000x16xf32, #tpu.memory_space<vmem>>, vector<1000x16xf32>
    tpu.vector_store %arg4[%swap3A, %swap3A_6], %dot_general3A_5 {strides = array<i32>} : memref<1000x16xf32, #tpu.memory_space<vmem>>, vector<1000x16xf32>,
    %get3A_8 = arith.constant 0 : index
    %get3A_9 = arith.constant 0 : index
    %get3A_10 = vector.load %arg3[%get3A_8, %get3A_9] : memref<128x16xf32, #tpu.memory_space<vmem>>, vector<128x16xf32>
    %dot_general3A_11 = arith.constant dense<0.000000e+00> : vector<1000x16xf32>
    %dot_general3A_12 = tpu.matmul %get3A_1, %get3A_10, %dot_general3A_11 {dimension_numbers = #tpu.dot_dimension_numbers<[1], [0], [0], [1], [0, 0, 1, 1], [], []>, transpose_lhs_hint = false} : vector<1000x128xf32>, vector<128x16xf32>, vector<1000x16xf32> -> vector<1000x16xf32>
    %swap3A_13 = arith.constant 0 : index
    %swap3A_14 = arith.constant 0 : index
    %swap3A_15 = vector.load %arg5[%swap3A_13, %swap3A_14] : memref<1000x16xf32, #tpu.memory_space<vmem>>, vector<1000x16xf32>
    tpu.vector_store %arg5[%swap3A_13, %swap3A_14], %dot_general3A_12 {strides = array<i32>} : memref<1000x16xf32, #tpu.memory_space<vmem>>, vector<1000x16xf32>,
    return
  }
  func.func @transform_0(%arg0: i32) -> (i32, i32) {
    %c0_i32 = arith.constant 0 : i32
    %c0_i32_0 = arith.constant 0 : i32
    return %arg0, %c0_i32 : i32, i32
  }
  func.func @transform_1(%arg0: i32) -> (i32, i32) {
    %c0_i32 = arith.constant 0 : i32
    %c0_i32_0 = arith.constant 0 : i32
    %c0_i32_1 = arith.constant 0 : i32
    return %c0_i32, %c0_i32_0 : i32, i32
  }
  func.func @transform_2(%arg0: i32) -> (i32, i32) {
    %c0_i32 = arith.constant 0 : i32
    %c0_i32_0 = arith.constant 0 : i32
    %c0_i32_1 = arith.constant 0 : i32
    return %c0_i32, %c0_i32_0 : i32, i32
  }
  func.func @transform_3(%arg0: i32) -> (i32, i32) {
    %c0_i32 = arith.constant 0 : i32
    %c0_i32_0 = arith.constant 0 : i32
    return %arg0, %c0_i32 : i32, i32
  }
  func.func @transform_4(%arg0: i32) -> (i32, i32) {
    %c0_i32 = arith.constant 0 : i32
    %c0_i32_0 = arith.constant 0 : i32
    return %arg0, %c0_i32 : i32, i32
  }
}

module attributes {stable_mosaic.version = 14 : i64} {
  func.func @_h_body(%arg0: i32, %arg1: memref<2x1000x16xf32, #tpu.memory_space<vmem>>, %arg2: memref<1000x32xf32, #tpu.memory_space<vmem>>, %arg3: memref<1000x16xf32, #tpu.memory_space<vmem>>, %arg4: memref<1x16xf32, #tpu.memory_space<vmem>>, %arg5: memref<1000x16xf32, #tpu.memory_space<vmem>>, %arg6: memref<1000x16xf32, #tpu.memory_space<vmem>>) attributes {dimension_semantics = [#tpu.dimension_semantics<arbitrary>], iteration_bounds = array<i64: 10>, scalar_prefetch = 0 : i64, scratch_operands = 0 : i64, tpu.core_type = #tpu.core_type<tc>, window_params = [{transform_indices = @transform_0, window_bounds = array<i64: 2, 1000, 16>}, {transform_indices = @transform_1, window_bounds = array<i64: 1000, 32>}, {transform_indices = @transform_2, window_bounds = array<i64: 1000, 16>}, {pipeline_mode = #tpu.pipeline_mode<synchronous>, transform_indices = @transform_3, window_bounds = array<i64: 1, 16>}, {transform_indices = @transform_4, window_bounds = array<i64: 1000, 16>}, {transform_indices = @transform_5, window_bounds = array<i64: 1000, 16>}]} {
    %get3A = arith.constant 0 : index
    %get3A_0 = arith.constant 0 : index
    %get3A_1 = arith.constant 0 : index
    %get3A_2 = vector.load %arg1[%get3A, %get3A_0, %get3A_1] : memref<2x1000x16xf32, #tpu.memory_space<vmem>>, vector<1x1000x16xf32>
    %get3A_3 = vector.shape_cast %get3A_2 : vector<1x1000x16xf32> to vector<1000x16xf32>
    %get3A_4 = arith.constant 1 : index
    %get3A_5 = arith.constant 0 : index
    %get3A_6 = arith.constant 0 : index
    %get3A_7 = vector.load %arg1[%get3A_4, %get3A_5, %get3A_6] : memref<2x1000x16xf32, #tpu.memory_space<vmem>>, vector<1x1000x16xf32>
    %get3A_8 = vector.shape_cast %get3A_7 : vector<1x1000x16xf32> to vector<1000x16xf32>
    %add3A = arith.addf %get3A_3, %get3A_8 : vector<1000x16xf32>
    %get3A_9 = arith.constant 0 : index
    %get3A_10 = arith.constant 0 : index
    %get3A_11 = vector.load %arg2[%get3A_9, %get3A_10] : memref<1000x32xf32, #tpu.memory_space<vmem>>, vector<1000x32xf32>
    %reduce_sum3A = arith.constant dense<0.000000e+00> : vector<1000xf32>
    %reduce_sum3A_12 = vector.multi_reduction <add>, %get3A_11, %reduce_sum3A [1] : vector<1000x32xf32> to vector<1000xf32>
    %max3A = arith.constant 1.000000e+00 : f32
    %max3A_13 = vector.broadcast %max3A : f32 to vector<1000xf32>
    %max3A_14 = arith.maximumf %reduce_sum3A_12, %max3A_13 : vector<1000xf32>
    %broadcast_in_dim3A = vector.shape_cast %max3A_14 : vector<1000xf32> to vector<1000x1xf32>
    %div3A = vector.broadcast %broadcast_in_dim3A : vector<1000x1xf32> to vector<1000x16xf32>
    %div3A_15 = arith.divf %add3A, %div3A : vector<1000x16xf32>
    %get3A_16 = arith.constant 0 : index
    %get3A_17 = arith.constant 0 : index
    %get3A_18 = vector.load %arg3[%get3A_16, %get3A_17] : memref<1000x16xf32, #tpu.memory_space<vmem>>, vector<1000x16xf32>
    %add3A_19 = arith.addf %div3A_15, %get3A_18 : vector<1000x16xf32>
    %get3A_20 = arith.constant 0 : index
    %get3A_21 = arith.constant 0 : index
    %get3A_22 = vector.load %arg4[%get3A_20, %get3A_21] : memref<1x16xf32, #tpu.memory_space<vmem>>, vector<1x16xf32>
    %add3A_23 = vector.broadcast %get3A_22 : vector<1x16xf32> to vector<1000x16xf32>
    %add3A_24 = arith.addf %add3A_19, %add3A_23 : vector<1000x16xf32>
    %max3A_25 = arith.constant 0.000000e+00 : f32
    %max3A_26 = vector.broadcast %max3A_25 : f32 to vector<1000x16xf32>
    %max3A_27 = arith.maximumf %add3A_24, %max3A_26 : vector<1000x16xf32>
    %swap3A = arith.constant 0 : index
    %swap3A_28 = arith.constant 0 : index
    %swap3A_29 = vector.load %arg5[%swap3A, %swap3A_28] : memref<1000x16xf32, #tpu.memory_space<vmem>>, vector<1000x16xf32>
    tpu.vector_store %arg5[%swap3A, %swap3A_28], %max3A_27 {strides = array<i32>} : memref<1000x16xf32, #tpu.memory_space<vmem>>, vector<1000x16xf32>,
    %broadcast_in_dim3A_30 = vector.shape_cast %broadcast_in_dim3A : vector<1000x1xf32> to vector<1000x1xf32>
    %broadcast_in_dim3A_31 = vector.broadcast %broadcast_in_dim3A_30 : vector<1000x1xf32> to vector<1000x16xf32>
    %swap3A_32 = arith.constant 0 : index
    %swap3A_33 = arith.constant 0 : index
    %swap3A_34 = vector.load %arg6[%swap3A_32, %swap3A_33] : memref<1000x16xf32, #tpu.memory_space<vmem>>, vector<1000x16xf32>
    tpu.vector_store %arg6[%swap3A_32, %swap3A_33], %broadcast_in_dim3A_31 {strides = array<i32>} : memref<1000x16xf32, #tpu.memory_space<vmem>>, vector<1000x16xf32>,
    return
  }
  func.func @transform_0(%arg0: i32) -> (i32, i32, i32) {
    %c0_i32 = arith.constant 0 : i32
    %c0_i32_0 = arith.constant 0 : i32
    %c0_i32_1 = arith.constant 0 : i32
    return %c0_i32, %arg0, %c0_i32_0 : i32, i32, i32
  }
  func.func @transform_1(%arg0: i32) -> (i32, i32) {
    %c0_i32 = arith.constant 0 : i32
    %c0_i32_0 = arith.constant 0 : i32
    return %arg0, %c0_i32 : i32, i32
  }
  func.func @transform_2(%arg0: i32) -> (i32, i32) {
    %c0_i32 = arith.constant 0 : i32
    %c0_i32_0 = arith.constant 0 : i32
    return %arg0, %c0_i32 : i32, i32
  }
  func.func @transform_3(%arg0: i32) -> (i32, i32) {
    %c0_i32 = arith.constant 0 : i32
    %c0_i32_0 = arith.constant 0 : i32
    %c0_i32_1 = arith.constant 0 : i32
    return %c0_i32, %c0_i32_0 : i32, i32
  }
  func.func @transform_4(%arg0: i32) -> (i32, i32) {
    %c0_i32 = arith.constant 0 : i32
    %c0_i32_0 = arith.constant 0 : i32
    return %arg0, %c0_i32 : i32, i32
  }
  func.func @transform_5(%arg0: i32) -> (i32, i32) {
    %c0_i32 = arith.constant 0 : i32
    %c0_i32_0 = arith.constant 0 : i32
    return %arg0, %c0_i32 : i32, i32
  }
}

module attributes {stable_mosaic.version = 14 : i64} {
  func.func @_out_body(%arg0: i32, %arg1: memref<2x1000x16xf32, #tpu.memory_space<vmem>>, %arg2: memref<1000x16xf32, #tpu.memory_space<vmem>>, %arg3: memref<1000x16xf32, #tpu.memory_space<vmem>>, %arg4: memref<16x40xf32, #tpu.memory_space<vmem>>, %arg5: memref<16x40xf32, #tpu.memory_space<vmem>>, %arg6: memref<1x40xf32, #tpu.memory_space<vmem>>, %arg7: memref<1000x40xf32, #tpu.memory_space<vmem>>) attributes {dimension_semantics = [#tpu.dimension_semantics<arbitrary>], iteration_bounds = array<i64: 10>, scalar_prefetch = 0 : i64, scratch_operands = 0 : i64, tpu.core_type = #tpu.core_type<tc>, window_params = [{transform_indices = @transform_0, window_bounds = array<i64: 2, 1000, 16>}, {transform_indices = @transform_1, window_bounds = array<i64: 1000, 16>}, {transform_indices = @transform_2, window_bounds = array<i64: 1000, 16>}, {pipeline_mode = #tpu.pipeline_mode<synchronous>, transform_indices = @transform_3, window_bounds = array<i64: 16, 40>}, {pipeline_mode = #tpu.pipeline_mode<synchronous>, transform_indices = @transform_4, window_bounds = array<i64: 16, 40>}, {pipeline_mode = #tpu.pipeline_mode<synchronous>, transform_indices = @transform_5, window_bounds = array<i64: 1, 40>}, {transform_indices = @transform_6, window_bounds = array<i64: 1000, 40>}]} {
    %get3A = arith.constant 0 : index
    %get3A_0 = arith.constant 0 : index
    %get3A_1 = arith.constant 0 : index
    %get3A_2 = vector.load %arg1[%get3A, %get3A_0, %get3A_1] : memref<2x1000x16xf32, #tpu.memory_space<vmem>>, vector<1x1000x16xf32>
    %get3A_3 = vector.shape_cast %get3A_2 : vector<1x1000x16xf32> to vector<1000x16xf32>
    %get3A_4 = arith.constant 1 : index
    %get3A_5 = arith.constant 0 : index
    %get3A_6 = arith.constant 0 : index
    %get3A_7 = vector.load %arg1[%get3A_4, %get3A_5, %get3A_6] : memref<2x1000x16xf32, #tpu.memory_space<vmem>>, vector<1x1000x16xf32>
    %get3A_8 = vector.shape_cast %get3A_7 : vector<1x1000x16xf32> to vector<1000x16xf32>
    %add3A = arith.addf %get3A_3, %get3A_8 : vector<1000x16xf32>
    %get3A_9 = arith.constant 0 : index
    %get3A_10 = arith.constant 0 : index
    %get3A_11 = vector.load %arg2[%get3A_9, %get3A_10] : memref<1000x16xf32, #tpu.memory_space<vmem>>, vector<1000x16xf32>
    %div3A = arith.divf %add3A, %get3A_11 : vector<1000x16xf32>
    %get3A_12 = arith.constant 0 : index
    %get3A_13 = arith.constant 0 : index
    %get3A_14 = vector.load %arg4[%get3A_12, %get3A_13] : memref<16x40xf32, #tpu.memory_space<vmem>>, vector<16x40xf32>
    %dot_general3A = arith.constant dense<0.000000e+00> : vector<1000x40xf32>
    %dot_general3A_15 = tpu.matmul %div3A, %get3A_14, %dot_general3A {dimension_numbers = #tpu.dot_dimension_numbers<[1], [0], [0], [1], [0, 0, 1, 1], [], []>, transpose_lhs_hint = false} : vector<1000x16xf32>, vector<16x40xf32>, vector<1000x40xf32> -> vector<1000x40xf32>
    %get3A_16 = arith.constant 0 : index
    %get3A_17 = arith.constant 0 : index
    %get3A_18 = vector.load %arg3[%get3A_16, %get3A_17] : memref<1000x16xf32, #tpu.memory_space<vmem>>, vector<1000x16xf32>
    %get3A_19 = arith.constant 0 : index
    %get3A_20 = arith.constant 0 : index
    %get3A_21 = vector.load %arg5[%get3A_19, %get3A_20] : memref<16x40xf32, #tpu.memory_space<vmem>>, vector<16x40xf32>
    %dot_general3A_22 = arith.constant dense<0.000000e+00> : vector<1000x40xf32>
    %dot_general3A_23 = tpu.matmul %get3A_18, %get3A_21, %dot_general3A_22 {dimension_numbers = #tpu.dot_dimension_numbers<[1], [0], [0], [1], [0, 0, 1, 1], [], []>, transpose_lhs_hint = false} : vector<1000x16xf32>, vector<16x40xf32>, vector<1000x40xf32> -> vector<1000x40xf32>
    %add3A_24 = arith.addf %dot_general3A_15, %dot_general3A_23 : vector<1000x40xf32>
    %get3A_25 = arith.constant 0 : index
    %get3A_26 = arith.constant 0 : index
    %get3A_27 = vector.load %arg6[%get3A_25, %get3A_26] : memref<1x40xf32, #tpu.memory_space<vmem>>, vector<1x40xf32>
    %add3A_28 = vector.broadcast %get3A_27 : vector<1x40xf32> to vector<1000x40xf32>
    %add3A_29 = arith.addf %add3A_24, %add3A_28 : vector<1000x40xf32>
    %reduce_max3A = arith.constant dense<0xFF800000> : vector<1000xf32>
    %reduce_max3A_30 = vector.multi_reduction <maximumf>, %add3A_29, %reduce_max3A [1] : vector<1000x40xf32> to vector<1000xf32>
    %broadcast_in_dim3A = vector.shape_cast %reduce_max3A_30 : vector<1000xf32> to vector<1000x1xf32>
    %sub3A = vector.broadcast %broadcast_in_dim3A : vector<1000x1xf32> to vector<1000x40xf32>
    %sub3A_31 = arith.subf %add3A_29, %sub3A : vector<1000x40xf32>
    %exp3A = math.exp %sub3A_31 : vector<1000x40xf32>
    %reduce_sum3A = arith.constant dense<0.000000e+00> : vector<1000xf32>
    %reduce_sum3A_32 = vector.multi_reduction <add>, %exp3A, %reduce_sum3A [1] : vector<1000x40xf32> to vector<1000xf32>
    %broadcast_in_dim3A_33 = vector.shape_cast %reduce_sum3A_32 : vector<1000xf32> to vector<1000x1xf32>
    %sub3A_34 = vector.broadcast %broadcast_in_dim3A : vector<1000x1xf32> to vector<1000x40xf32>
    %sub3A_35 = arith.subf %add3A_29, %sub3A_34 : vector<1000x40xf32>
    %log3A = math.log %broadcast_in_dim3A_33 : vector<1000x1xf32>
    %sub3A_36 = vector.broadcast %log3A : vector<1000x1xf32> to vector<1000x40xf32>
    %sub3A_37 = arith.subf %sub3A_35, %sub3A_36 : vector<1000x40xf32>
    %swap3A = arith.constant 0 : index
    %swap3A_38 = arith.constant 0 : index
    %swap3A_39 = vector.load %arg7[%swap3A, %swap3A_38] : memref<1000x40xf32, #tpu.memory_space<vmem>>, vector<1000x40xf32>
    tpu.vector_store %arg7[%swap3A, %swap3A_38], %sub3A_37 {strides = array<i32>} : memref<1000x40xf32, #tpu.memory_space<vmem>>, vector<1000x40xf32>,
    return
  }
  func.func @transform_0(%arg0: i32) -> (i32, i32, i32) {
    %c0_i32 = arith.constant 0 : i32
    %c0_i32_0 = arith.constant 0 : i32
    %c0_i32_1 = arith.constant 0 : i32
    return %c0_i32, %arg0, %c0_i32_0 : i32, i32, i32
  }
  func.func @transform_1(%arg0: i32) -> (i32, i32) {
    %c0_i32 = arith.constant 0 : i32
    %c0_i32_0 = arith.constant 0 : i32
    return %arg0, %c0_i32 : i32, i32
  }
  func.func @transform_2(%arg0: i32) -> (i32, i32) {
    %c0_i32 = arith.constant 0 : i32
    %c0_i32_0 = arith.constant 0 : i32
    return %arg0, %c0_i32 : i32, i32
  }
  func.func @transform_3(%arg0: i32) -> (i32, i32) {
    %c0_i32 = arith.constant 0 : i32
    %c0_i32_0 = arith.constant 0 : i32
    %c0_i32_1 = arith.constant 0 : i32
    return %c0_i32, %c0_i32_0 : i32, i32
  }
  func.func @transform_4(%arg0: i32) -> (i32, i32) {
    %c0_i32 = arith.constant 0 : i32
    %c0_i32_0 = arith.constant 0 : i32
    %c0_i32_1 = arith.constant 0 : i32
    return %c0_i32, %c0_i32_0 : i32, i32
  }
  func.func @transform_5(%arg0: i32) -> (i32, i32) {
    %c0_i32 = arith.constant 0 : i32
    %c0_i32_0 = arith.constant 0 : i32
    %c0_i32_1 = arith.constant 0 : i32
    return %c0_i32, %c0_i32_0 : i32, i32
  }
  func.func @transform_6(%arg0: i32) -> (i32, i32) {
    %c0_i32 = arith.constant 0 : i32
    %c0_i32_0 = arith.constant 0 : i32
    return %arg0, %c0_i32 : i32, i32
  }
}

</mosaic_0001>

<sc_bundles>
// kernel: kernel.10.cloned.1.call-start
scs
__scs_entry_jumppad:
0x0: {  	(pc) =	sbr.rel $0x88, $3  }
0x1: {  	(tag) =	ssettag $0x0;
	lr =	simm.s32 $0x1  }
0x2: {  	[smem:$0x3F99] =	sst lr;
	_ =	strace $0xD0000000  }
0x3: {  	_ = 	snop  }
0x4: {  	_ = 	snop  }
0x5: {  	_ = 	snop  }
0x6: {  	_ = 	snop  }
0x7: {  	_ = 	snop  }
__scs_overlays_trampoline_lowered:
0x8: {  	[smem:$0x3FA8] =	sst s0  }
0x9: {  	[smem:$0x3FA9] =	sst s1  }
0xa: {  	[smem:$0x3FAA] =	sst s2  }
0xb: {  	[smem:$0x3FAB] =	sst s3  }
0xc: {  	[smem:$0x3FAC] =	sst s4  }
0xd: {  	[smem:$0x3FAD] =	sst s5  }
0xe: {  	[smem:$0x3FAE] =	sst s6  }
0xf: {  	[smem:$0x3FAF] =	sst s7  }
0x10: {  	[smem:$0x3FB0] =	sst s8  }
0x11: {  	[smem:$0x3FB1] =	sst s9;
	s0 =	simm.s32 @!p0 $0x0  }
0x12: {  	s1 =	sld [smem:$0x3F97];
	s0 =	simm.s32 @p0 $0x1  }
0x13: {  	[smem:$0x3FB2] =	sst s0;
	s0 =	simm.s32 @!p1 $0x0  }
0x14: {  	s2 =	sld [smem:$0x3F96];
	s0 =	simm.s32 @p1 $0x1  }
0x15: {  	[smem:$0x3FB3] =	sst s0;
	s0 =	simm.s32 @!p2 $0x0  }
0x16: {  	s3 =	sld [smem:$0x3FDB];
	s0 =	simm.s32 @p2 $0x1  }
0x17: {  	s4 =	simm.s32 $0x1BF5;
	[smem:$0x3FB5] =	sst s0  }
0x18: {  	s0 =	sld [smem:$0x3F98];
	_ =	swait.ge [sflag:s4], $0x0  }
0x19: {  	s7 =	sld [smem:$0x3F99]  }
0x1a: {  	s8 =	sadd.s32 $0xFFFFE003, lr  }
0x1b: {  	s9 =	sadd.s32 $0xFFFFFEF7, lr;
	s5 =	simm.s32 $0xFFFFFFFF;
	p2 =	slt.u32 s8, $0xFFFFF086  }
0x1c: {  	p1 =	slt.u32 s9, $0xF7A;
	s5 =	simm.s32 @!p2 $0x0  }
0x1d: {  	s5 =	simm.s32 @p1 $0x1;
	p0 =	seq.s32 s7, s2  }
0x1e: {  	s7 =	smul.u32 @!p0 $0xF7A, s2;
	p2 =	seq.s32 @!p0 s5, $0x0  }
0x1f: {  	s9 =	smul.u32 $0xF7A, s1;
	s8 =	simm.s32 @!p0 $0x1BF5;
	p2 =	por !p2, p0  }
0x20: {  	[sflag:s8] =	ssyncset.s32 @!p0 $0xFFFFF086;
	s6 =	sadd.s32 @!p0 s3, s7;
	s7 =	simm.s32 @!p0 $0x108  }
0x21: {  	s3 =	sadd.s32 s3, s9;
	s6 =	sadd.s32 @!p0 $0x88, s6;
	s7 =	simm.s32 @p2 $0x1082  }
0x22: {  	[simem:s7], [sflag:s8] =	dma.local @!p0 [hbm:s6], $0xF7A  }
0x23: {  	s9 =	sor.u32 $0xD0000000, s2;
	s6 =	simm.s32 $0x108;
	_ =	swait.ge @!p0 [sflag:s8], $0x0  }
0x24: {  	s3 =	sadd.s32 $0x88, s3;
	s6 =	simm.s32 @!p1 $0x1082;
	[sflag:s4] =	ssyncset.s32 $0xFFFFF086  }
0x25: {  	[simem:s6], [sflag:s4] =	dma.local [hbm:s3], $0xF7A  }
0x26: {  	[smem:$0x3F99] =	sst s1;
	(tag) =	ssettag s2;
	_ =	strace s9  }
0x27: {  	s1 =	sld [smem:$0x3FA9]  }
0x28: {  	s2 =	sld [smem:$0x3FAA]  }
0x29: {  	s4 =	sld [smem:$0x3FAC]  }
0x2a: {  	p0 =	seq.s32 s5, $0x0;
	s5 =	sld [smem:$0x3FAD]  }
0x2b: {  	s6 =	sld [smem:$0x3FAE]  }
0x2c: {  	s7 =	sld [smem:$0x3FAF]  }
0x2d: {  	s3 =	simm.s32 $0x108;
	s8 =	sld [smem:$0x3FB0]  }
0x2e: {  	s3 =	simm.s32 @!p0 $0x1082;
	s9 =	sld [smem:$0x3FB1]  }
0x2f: {  	lr =	sadd.s32 s0, s3;
	s0 =	sld [smem:$0x3FA8]  }
0x30: {  	s3 =	sld [smem:$0x3FAB]  }
0x31: {  	[smem:$0x3FB4] =	sst s10  }
0x32: {  	s10 =	sld [smem:$0x3FB2];
	_ =	sdelay $0x3  }
0x33: {  	p0 =	seq.s32 s10, $0x1;
	s10 =	sld [smem:$0x3FB4];
	_ =	sdelay $0x3  }
0x34: {  	[smem:$0x3FB4] =	sst s10  }
0x35: {  	s10 =	sld [smem:$0x3FB3];
	_ =	sdelay $0x3  }
0x36: {  	p1 =	seq.s32 s10, $0x1;
	s10 =	sld [smem:$0x3FB4];
	_ =	sdelay $0x3  }
0x37: {  	[smem:$0x3FB4] =	sst s10  }
0x38: {  	s10 =	sld [smem:$0x3FB5]  }
0x39: {  	_ = 	snop;
	(pc) =	sbr.ind lr, $3  }
0x3a: {  	_ = 	snop  }
0x3b: {  	_ = 	snop  }
0x3c: {  	p2 =	seq.s32 s10, $0x1;
	s10 =	sld [smem:$0x3FB4]  }
0x3d: {  	_ =	shalt  }
0x3e: {  	_ =	shalt  }
0x3f: {  	_ =	shalt  }
0x40: {  	_ =	shalt  }
0x41: {  	_ =	shalt  }
0x42: {  	_ =	shalt  }
0x43: {  	_ =	shalt  }
0x44: {  	_ =	shalt  }
0x45: {  	_ =	shalt  }
0x46: {  	_ =	shalt  }
0x47: {  	_ =	shalt  }
0x48: {  	_ =	shalt  }
0x49: {  	_ =	shalt  }
0x4a: {  	_ =	shalt  }
0x4b: {  	_ =	shalt  }
0x4c: {  	_ =	shalt  }
0x4d: {  	_ =	shalt  }
0x4e: {  	_ =	shalt  }
0x4f: {  	_ =	shalt  }
0x50: {  	_ =	shalt  }
0x51: {  	_ =	shalt  }
0x52: {  	_ =	shalt  }
0x53: {  	_ =	shalt  }
0x54: {  	_ =	shalt  }
0x55: {  	_ =	shalt  }
0x56: {  	_ =	shalt  }
0x57: {  	_ =	shalt  }
0x58: {  	_ =	shalt  }
0x59: {  	_ =	shalt  }
0x5a: {  	_ =	shalt  }
0x5b: {  	_ =	shalt  }
0x5c: {  	_ =	shalt  }
0x5d: {  	_ =	shalt  }
0x5e: {  	_ =	shalt  }
0x5f: {  	_ =	shalt  }
0x60: {  	_ =	shalt  }
0x61: {  	_ =	shalt  }
0x62: {  	_ =	shalt  }
0x63: {  	_ =	shalt  }
0x64: {  	_ =	shalt  }
0x65: {  	_ =	shalt  }
0x66: {  	_ =	shalt  }
0x67: {  	_ =	shalt  }
0x68: {  	_ =	shalt  }
0x69: {  	_ =	shalt  }
0x6a: {  	_ =	shalt  }
0x6b: {  	_ =	shalt  }
0x6c: {  	_ =	shalt  }
0x6d: {  	_ =	shalt  }
0x6e: {  	_ =	shalt  }
0x6f: {  	_ =	shalt  }
0x70: {  	_ =	shalt  }
0x71: {  	_ =	shalt  }
0x72: {  	_ =	shalt  }
0x73: {  	_ =	shalt  }
0x74: {  	_ =	shalt  }
0x75: {  	_ =	shalt  }
0x76: {  	_ =	shalt  }
0x77: {  	_ =	shalt  }
0x78: {  	_ =	shalt  }
0x79: {  	_ =	shalt  }
0x7a: {  	_ =	shalt  }
0x7b: {  	_ =	shalt  }
0x7c: {  	_ =	shalt  }
0x7d: {  	_ =	shalt  }
0x7e: {  	_ =	shalt  }
0x7f: {  	_ =	shalt  }
0x80: {  	_ =	shalt  }
0x81: {  	_ =	shalt  }
0x82: {  	_ =	shalt  }
0x83: {  	_ =	shalt  }
0x84: {  	_ =	shalt  }
0x85: {  	_ =	shalt  }
0x86: {  	_ =	shalt  }
0x87: {  	_ =	shalt  }
.Lfunc_end0:
.L_simem_size_0:
called_computation.1_lowered:
.L_overlay_start_0:
0x88: {  	s2 =	sld [smem:$0x3FD9]  }
0x89: {  	s3 =	sld [smem:$0x3FFE];
	_ =	sdelay $0x1  }
0x8a: {  	s1 =	srdreg.scid  }
0x8b: {  	s0 =	sand.u32 $0x1, s1  }
0x8c: {  	s17 =	sshll.u32 s0, $0xA;
	s2 =	sadd.s32 s3, s2  }
0x8d: {  	s2 =	sadd.s32 s2, s17  }
0x8e: {  	[smem:$0x3FC0] =	sst s2  }
0x8f: {  	_ = 	snop  }
0x90: {  	s2 =	sld [smem:$0x3FD0];
	(tm) =	ssettm $0x1  }
0x91: {  	s18 =	sld [smem:$0x3FFB];
	_ =	sdelay $0x3  }
0x92: {  	_ =	strace s18  }
0x93: {  	s3 =	sld [smem:$0x3FFC];
	_ =	sdelay $0x3  }
0x94: {  	_ =	strace s3  }
0x95: {  	s3 =	sld [smem:$0x3FFD];
	_ =	sdelay $0x3  }
0x96: {  	_ =	strace s3  }
0x97: {  	_ =	strace $0x8FFFFFFF  }
0x98: {  	s19 =	sld [smem:$0x3FDB];
	_ =	sdelay $0x1  }
0x99: {  	s4 =	simm.s32 $_scs_section_size  }
0x9a: {  	s5 =	simm.s32 $_size__tile_overlayer_lowered;
	s6 =	simm.s32 $_tile_overlayer_lowered  }
0x9b: {  	s22 =	simm.s32 $0x1BFF;
	s21 =	sshll.u32 s6, $0x1;
	s3 =	sadd.s32 s4, s19  }
0x9c: {  	s7 =	simm.s32 $0x0;
	s20 =	sshll.u32 s5, $0x1;
	s5 =	sadd.s32 s21, s3  }
0x9d: {  	[timem:s7], [sflag:s22] =	dma.local [hbm:s5], s20  }
0x9e: {  	_ =	swait.ge [sflag:s22], s20  }
0x9f: {  	s4 =	ssub.s32 $0x0, s20;
	[sflag:s22] =	ssyncset.done $0x0  }
0xa0: {  	[sflag:s22] =	ssyncadd.s32 s4;
	_ =	sdelay $0x1  }
0xa1: {  	s23 =	simm.s32 $0x1B8B  }
0xa2: {  	_ =	swait.ge [sflag:s23], $0x1  }
0xa3: {  	[sflag:s23] =	ssyncset.done $0x0  }
0xa4: {  	s25 =	simm.s32 $0x1B8E;
	s24 =	sld [smem:$0x3FFE];
	[sflag:s23] =	ssyncadd.s32 $0xFFFFFFFF  }
0xa5: {  	s26 =	simm.s32 $execute0_lowered;
	[smem:$0x3FD2] =	sst s25  }
0xa6: {  	s5 =	sshll.u32 s26, $0x1;
	_ =	strace $0x80000049;
	[dreg:$0x1] =	wrdreg $0xFFFFFFFF  }
0xa7: {  	s28 =	simm.s32 $_size_execute0_lowered;
	s3 =	sadd.s32 s3, s5;
	[dreg:$0x0] =	wrdreg $0x0  }
0xa8: {  	s5 =	sshll.u32 s28, $0x1;
	[dreg:$0x2] =	wrdreg s3  }
0xa9: {  	[dreg:$0x3] =	wrdreg s5  }
0xaa: {  	[dreg:$0x4] =	wrdreg $0xC0  }
0xab: {  	_ =	task [dreg:s7], $0x5FFFF  }
0xac: {  	[dreg:$0x1] =	wrdreg $0xFFFFFFFF  }
0xad: {  	[dreg:$0x0] =	wrdreg $0x60  }
0xae: {  	[dreg:$0x2] =	wrdreg s24  }
0xaf: {  	[dreg:$0x3] =	wrdreg s2  }
0xb0: {  	[dreg:$0x4] =	wrdreg $0x70000  }
0xb1: {  	[dreg:$0x5] =	wrdreg $0x97800  }
0xb2: {  	[dreg:$0x6] =	wrdreg $0x9  }
0xb3: {  	_ =	task.clear_ibuf [dreg:s7], $0x7FFFF;
	_ =	strace $0x90000049  }
0xb4: {  	s29 =	simm.s32 $0x9;
	_ =	strace $0x8000004B  }
0xb5: {  	_ =	swait.ge [sflag:s29], $0x1  }
0xb6: {  	[sflag:s29] =	ssyncadd.s32 $0xFFFFFFFF  }
0xb7: {  	_ =	strace $0x9000004B  }
0xb8: {  	_ =	sfence  }
0xb9: {  	s30 =	sld [smem:$0x0];
	_ =	sdelay $0x2  }
0xba: {  	s31 =	sshll.u32 s1, $0xD;
	s1 =	sshrl.u32 s1, $0x2  }
0xbb: {  	s3 =	sand.u32 $0x4000, s31;
	s1 =	sadd.s32 s1, s30  }
0xbc: {  	s0 =	sor.u32 s3, s0;
	s1 =	sshll.u32 s1, $0x11  }
0xbd: {  	s0 =	sor.u32 s1, s0  }
0xbe: {  	s0 =	sadd.s32 $0x8F2B, s0  }
0xbf: {  	[sflag:s0] =	ssyncadd.remote.s32 $0x1  }
0xc0: {  	_ =	sfence.sel $0xFFFF  }
0xc1: {  	[dreg:$0x0] =	wrdreg $0xFFFFFFFF;
	(pc) =	sbr.abs _section_cstart, $3  }
0xc2: {  	[dreg:$0x1] =	wrdreg $0xFFFFFFFF  }
0xc3: {  	_ =	task.clear_ibuf [dreg:s7], $0x2FFFF;
	_ =	strace $0x9FFFFFFF  }
0xc4: {  	(tm) =	ssettm $0x7FFFFFFF  }
0xc5: {  	_ =	shalt  }
tec
execute0_lowered:
.L_overlay_start_1:
0x0: {  	(tag) =	ssettag $0x1  }
0x1: {  	s0 =	rddreg [dreg:$0x0]  }
0x2: {  	s1 =	rddreg [dreg:$0x1]  }
0x3: {  	s2 =	rddreg [dreg:$0x2]  }
0x4: {  	s3 =	rddreg [dreg:$0x3]  }
0x5: {  	s4 =	srdreg.scid;
	s12 =	stileid.u32  }
0x6: {  	s16 =	simm.s32 $0x80;
	s17 =	simm.s32 $0x5000;
	s18 =	simm.s32 $0x5800  }
0x7: {  	s19 =	simm.s32 $0x6000;
	s20 =	simm.s32 $0x6800;
	s21 =	simm.s32 $0x1  }
0x8: {  	s22 =	simm.s32 $0x2;
	s23 =	simm.s32 $0x3;
	s24 =	simm.s32 $0x4  }
0x9: {  	s25 =	simm.s32 $0x5;
	s28 =	simm.s32 $0x7;
	s29 =	simm.s32 $0x8  }
0xa: {  	s30 =	simm.s32 $0x0;
	s5 =	sand.u32 $0x1, s4;
	s4 =	simm.s32 $0x0  }
0xb: {  	s8 =	smul.u32 $0x2780, s12;
	s31 =	sshll.u32 s12, $0x6;
	s6 =	sshll.u32 s5, $0x4  }
0xc: {  	[smem:$0x7FF] =	sst s4;
	s7 =	smul.u32 $0x27800, s5;
	s5 =	ssub.s32 $0x2, s5  }
0xd: {  	s13 =	sor.u32 $0x1C09, s31;
	s6 =	sor.u32 s12, s6;
	_ =	strace $0x8000004A  }
0xe: {  	s9 =	sshrl.u32 s8, $0x3;
	s11 =	sshrl.u32 s5, $0x1;
	s26 =	sadd.s32 s8, s2  }
0xf: {  	s15 =	sadd.s32 s8, s3;
	s6 =	smul.u32 $0x500, s6;
	s9 =	sadd.s32 s9, s0  }
0x10: {  	s7 =	sadd.s32 s8, s7;
	s11 =	ssub.s32 s5, s11;
	s14 =	sshrl.u32 s26, $0x3  }
0x11: {  	s15 =	sshrl.u32 s15, $0x3;
	s26 =	simm.s32 $0x6;
	s7 =	sshrl.u32 s7, $0x3  }
0x12: {  	s8 =	sadd.s32 $0x1400, s9;
	s10 =	sadd.s32 s6, s0;
	s0 =	sadd.s32 s7, s0  }
0x13: {  	s5 =	sadd.s32 s1, s6;
	s7 =	sadd.s32 $0x10400, s9;
	s6 =	sadd.s32 $0x6400, s10  }
0x14: {  	s9 =	sadd.s32 $0x15400, s0;
	s10 =	smax.u32 s11, $0x1;
	s11 =	simm.s32 $0x9  }
.LBB2_1:
0x15: {  	[tilespmem:s4], [sflag:$0x9] =	stream.linear.gather [hbm4b:s5+s4], $0x2800, $0x38;
	[tilespmem:$0xBF00] =	vst v63  }
0x16: {  	_ =	swait.ge [sflag:s11], $0x2800  }
0x17: {  	[sflag:s11] =	ssyncset.done $0x0  }
0x18: {  	s0 =	simm.s32 $0x2800;
	[sflag:s11] =	ssyncadd.s32 $0xFFFFD800  }
0x19: {  	[tilespmem:s0], [sflag:$0x9] =	stream.linear.gather [hbm4b:s6+s4], $0x2800, $0x38;
	[tilespmem:$0xBF00] =	vst v63  }
0x1a: {  	_ =	swait.ge [sflag:s11], $0x2800  }
0x1b: {  	[sflag:s11] =	ssyncset.done $0x0  }
0x1c: {  	[sflag:s11] =	ssyncadd.s32 $0xFFFFD800  }
0x1d: {  	[spmem:s14], [sflag:s13] =	dma.local [hbm:s7], $0x4F0  }
0x1e: {  	_ =	swait.ge [sflag:s11], $0x4F0  }
0x1f: {  	[sflag:s11] =	ssyncset.done $0x0  }
0x20: {  	[sflag:s11] =	ssyncadd.s32 $0xFFFFFB10  }
0x21: {  	[spmem:s15], [sflag:s13] =	dma.local [hbm:s8], $0x4F0  }
0x22: {  	_ =	swait.ge [sflag:s11], $0x4F0  }
0x23: {  	[sflag:s11] =	ssyncset.done $0x0  }
0x24: {  	[sflag:s11] =	ssyncadd.s32 $0xFFFFFB10  }
0x25: {  	s1 =	simm.s32 $0x0;
	[bflag:$0x0] =	sbarrier.arrive $0xFFFF  }
0x26: {  	[tilespmem:s17], [sflag:$0x1] =	stream.indirect.gather [spmem:s3], $0x10, s1, s16, $0xb8;
	[tilespmem:$0xBF00] =	vst v63  }
0x27: {  	s12 =	simm.s32 $0x80  }
0x28: {  	[tilespmem:s18], [sflag:$0x2] =	stream.indirect.gather [spmem:s3], $0x10, s12, s16, $0xb8;
	[tilespmem:$0xBF00] =	vst v63  }
0x29: {  	s1 =	simm.s32 $0x100  }
0x2a: {  	[tilespmem:s19], [sflag:$0x3] =	stream.indirect.gather [spmem:s3], $0x10, s1, s16, $0xb8;
	[tilespmem:$0xBF00] =	vst v63  }
0x2b: {  	s12 =	simm.s32 $0x180  }
0x2c: {  	[tilespmem:s20], [sflag:$0x4] =	stream.indirect.gather [spmem:s3], $0x10, s12, s16, $0xb8;
	[tilespmem:$0xBF00] =	vst v63  }
0x2d: {  	_ =	swait.ge [sflag:s21], $0x800  }
0x2e: {  	[sflag:s21] =	ssyncset.done $0x0  }
0x2f: {  	s1 =	simm.s32 $0x2800;
	[sflag:s21] =	ssyncadd.s32 $0xFFFFF800  }
0x30: {  	[spmem:s2] =	stream.indirect.scatter.add.f32 [tilespmem:s17], [sflag:$0x5], $0x10, s1, s16, $0xb8;
	[tilespmem:$0xBF00] =	vst v63  }
0x31: {  	_ =	swait.ge [sflag:s22], $0x800  }
0x32: {  	[sflag:s22] =	ssyncset.done $0x0  }
0x33: {  	s12 =	simm.s32 $0x2880;
	[sflag:s22] =	ssyncadd.s32 $0xFFFFF800  }
0x34: {  	[spmem:s2] =	stream.indirect.scatter.add.f32 [tilespmem:s18], [sflag:$0x6], $0x10, s12, s16, $0xb8;
	[tilespmem:$0xBF00] =	vst v63  }
0x35: {  	_ =	swait.ge [sflag:s23], $0x800  }
0x36: {  	[sflag:s23] =	ssyncset.done $0x0  }
0x37: {  	s1 =	simm.s32 $0x2900;
	[sflag:s23] =	ssyncadd.s32 $0xFFFFF800  }
0x38: {  	[spmem:s2] =	stream.indirect.scatter.add.f32 [tilespmem:s19], [sflag:$0x7], $0x10, s1, s16, $0xb8;
	[tilespmem:$0xBF00] =	vst v63  }
0x39: {  	_ =	swait.ge [sflag:s24], $0x800  }
0x3a: {  	[sflag:s24] =	ssyncset.done $0x0  }
0x3b: {  	s12 =	simm.s32 $0x2980;
	[sflag:s24] =	ssyncadd.s32 $0xFFFFF800  }
0x3c: {  	[spmem:s2] =	stream.indirect.scatter.add.f32 [tilespmem:s20], [sflag:$0x8], $0x10, s12, s16, $0xb8;
	[tilespmem:$0xBF00] =	vst v63  }
0x3d: {  	_ =	swait.ge [sflag:s25], $0x800  }
0x3e: {  	[sflag:s25] =	ssyncset.done $0x0  }
0x3f: {  	[sflag:s25] =	ssyncadd.s32 $0xFFFFF800  }
0x40: {  	_ =	swait.ge [sflag:s26], $0x800  }
0x41: {  	[sflag:s26] =	ssyncset.done $0x0  }
0x42: {  	[sflag:s26] =	ssyncadd.s32 $0xFFFFF800  }
0x43: {  	_ =	swait.ge [sflag:s28], $0x800  }
0x44: {  	[sflag:s28] =	ssyncset.done $0x0  }
0x45: {  	[sflag:s28] =	ssyncadd.s32 $0xFFFFF800  }
0x46: {  	_ =	swait.ge [sflag:s29], $0x800  }
0x47: {  	s31 =	simm.s32 $0x800;
	s0 =	simm.s32 $0x1000;
	[sflag:s29] =	ssyncset.done $0x0  }
.LBB2_2:
0x48: {  	s12 =	sshra.s32 s31, $0x2  }
0x49: {  	[sflag:s29] =	ssyncadd.s32 $0xFFFFF800;
	s31 =	smov.u32 s0;
	s1 =	sadd.s32 $0x800, s0  }
0x4a: {  	[tilespmem:s17], [sflag:$0x1] =	stream.indirect.gather [spmem:s3], $0x10, s12, s16, $0xb8;
	[tilespmem:$0xBF00] =	vst v63  }
0x4b: {  	p0 =	sne.s32 s0, $0x9800;
	s0 =	sadd.s32 $0x80, s12  }
0x4c: {  	[tilespmem:s18], [sflag:$0x2] =	stream.indirect.gather [spmem:s3], $0x10, s0, s16, $0xb8;
	[tilespmem:$0xBF00] =	vst v63  }
0x4d: {  	s0 =	sadd.s32 $0x100, s12  }
0x4e: {  	[tilespmem:s19], [sflag:$0x3] =	stream.indirect.gather [spmem:s3], $0x10, s0, s16, $0xb8;
	[tilespmem:$0xBF00] =	vst v63  }
0x4f: {  	s0 =	sadd.s32 $0x180, s12  }
0x50: {  	[tilespmem:s20], [sflag:$0x4] =	stream.indirect.gather [spmem:s3], $0x10, s0, s16, $0xb8;
	[tilespmem:$0xBF00] =	vst v63  }
0x51: {  	_ =	swait.ge [sflag:s21], $0x800  }
0x52: {  	[sflag:s21] =	ssyncset.done $0x0  }
0x53: {  	s0 =	sadd.s32 $0x2800, s12;
	[sflag:s21] =	ssyncadd.s32 $0xFFFFF800  }
0x54: {  	[spmem:s2] =	stream.indirect.scatter.add.f32 [tilespmem:s17], [sflag:$0x5], $0x10, s0, s16, $0xb8;
	[tilespmem:$0xBF00] =	vst v63  }
0x55: {  	_ =	swait.ge [sflag:s22], $0x800  }
0x56: {  	[sflag:s22] =	ssyncset.done $0x0  }
0x57: {  	s0 =	sadd.s32 $0x2880, s12;
	[sflag:s22] =	ssyncadd.s32 $0xFFFFF800  }
0x58: {  	[spmem:s2] =	stream.indirect.scatter.add.f32 [tilespmem:s18], [sflag:$0x6], $0x10, s0, s16, $0xb8;
	[tilespmem:$0xBF00] =	vst v63  }
0x59: {  	_ =	swait.ge [sflag:s23], $0x800  }
0x5a: {  	[sflag:s23] =	ssyncset.done $0x0  }
0x5b: {  	s0 =	sadd.s32 $0x2900, s12;
	[sflag:s23] =	ssyncadd.s32 $0xFFFFF800  }
0x5c: {  	[spmem:s2] =	stream.indirect.scatter.add.f32 [tilespmem:s19], [sflag:$0x7], $0x10, s0, s16, $0xb8;
	[tilespmem:$0xBF00] =	vst v63  }
0x5d: {  	_ =	swait.ge [sflag:s24], $0x800  }
0x5e: {  	[sflag:s24] =	ssyncset.done $0x0  }
0x5f: {  	s0 =	sadd.s32 $0x2980, s12;
	[sflag:s24] =	ssyncadd.s32 $0xFFFFF800  }
0x60: {  	[spmem:s2] =	stream.indirect.scatter.add.f32 [tilespmem:s20], [sflag:$0x8], $0x10, s0, s16, $0xb8;
	[tilespmem:$0xBF00] =	vst v63  }
0x61: {  	_ =	swait.ge [sflag:s25], $0x800  }
0x62: {  	[sflag:s25] =	ssyncset.done $0x0  }
0x63: {  	[sflag:s25] =	ssyncadd.s32 $0xFFFFF800  }
0x64: {  	_ =	swait.ge [sflag:s26], $0x800  }
0x65: {  	[sflag:s26] =	ssyncset.done $0x0  }
0x66: {  	[sflag:s26] =	ssyncadd.s32 $0xFFFFF800  }
.Ltmp0:
0x67: {  	_ =	swait.ge [sflag:s28], $0x800;
	(pc) =	sbr.rel @p0 .LBB2_2-.Ltmp0, $4  }
0x68: {  	[sflag:s28] =	ssyncset.done $0x0  }
0x69: {  	[sflag:s28] =	ssyncadd.s32 $0xFFFFF800  }
0x6a: {  	_ =	swait.ge [sflag:s29], $0x800  }
0x6b: {  	s0 =	smov.u32 s1;
	[sflag:s29] =	ssyncset.done $0x0  }
0x6c: {  	s0 =	sshra.s32 s31, $0x2;
	[sflag:s29] =	ssyncadd.s32 $0xFFFFF800  }
0x6d: {  	[tilespmem:s17], [sflag:$0x1] =	stream.indirect.gather [spmem:s3], $0x10, s0, s16, $0xb8;
	[tilespmem:$0xBF00] =	vst v63  }
0x6e: {  	s1 =	sadd.s32 $0x80, s0  }
0x6f: {  	[tilespmem:s18], [sflag:$0x2] =	stream.indirect.gather [spmem:s3], $0x10, s1, s16, $0xb8;
	[tilespmem:$0xBF00] =	vst v63  }
0x70: {  	s31 =	sadd.s32 $0x100, s0  }
0x71: {  	[tilespmem:s19], [sflag:$0x3] =	stream.indirect.gather [spmem:s3], $0x10, s31, s16, $0xb8;
	[tilespmem:$0xBF00] =	vst v63  }
0x72: {  	s12 =	sadd.s32 $0x180, s0  }
0x73: {  	[tilespmem:s20], [sflag:$0x4] =	stream.indirect.gather [spmem:s3], $0x10, s12, s16, $0xb8;
	[tilespmem:$0xBF00] =	vst v63  }
0x74: {  	_ =	swait.ge [sflag:s21], $0x800  }
0x75: {  	[sflag:s21] =	ssyncset.done $0x0  }
0x76: {  	s31 =	sadd.s32 $0x2800, s0;
	[sflag:s21] =	ssyncadd.s32 $0xFFFFF800  }
0x77: {  	[spmem:s2] =	stream.indirect.scatter.add.f32 [tilespmem:s17], [sflag:$0x5], $0x10, s31, s16, $0xb8;
	[tilespmem:$0xBF00] =	vst v63  }
0x78: {  	_ =	swait.ge [sflag:s22], $0x800  }
0x79: {  	[sflag:s22] =	ssyncset.done $0x0  }
0x7a: {  	s12 =	sadd.s32 $0x2880, s0;
	[sflag:s22] =	ssyncadd.s32 $0xFFFFF800  }
0x7b: {  	[spmem:s2] =	stream.indirect.scatter.add.f32 [tilespmem:s18], [sflag:$0x6], $0x10, s12, s16, $0xb8;
	[tilespmem:$0xBF00] =	vst v63  }
0x7c: {  	_ =	swait.ge [sflag:s23], $0x800  }
0x7d: {  	[sflag:s23] =	ssyncset.done $0x0  }
0x7e: {  	s31 =	sadd.s32 $0x2900, s0;
	[sflag:s23] =	ssyncadd.s32 $0xFFFFF800  }
0x7f: {  	[spmem:s2] =	stream.indirect.scatter.add.f32 [tilespmem:s19], [sflag:$0x7], $0x10, s31, s16, $0xb8;
	[tilespmem:$0xBF00] =	vst v63  }
0x80: {  	_ =	swait.ge [sflag:s24], $0x800  }
0x81: {  	[sflag:s24] =	ssyncset.done $0x0  }
0x82: {  	s0 =	sadd.s32 $0x2980, s0;
	[sflag:s24] =	ssyncadd.s32 $0xFFFFF800  }
0x83: {  	[spmem:s2] =	stream.indirect.scatter.add.f32 [tilespmem:s20], [sflag:$0x8], $0x10, s0, s16, $0xb8;
	[tilespmem:$0xBF00] =	vst v63  }
0x84: {  	_ =	swait.ge [sflag:s25], $0x800  }
0x85: {  	[sflag:s25] =	ssyncset.done $0x0  }
0x86: {  	[sflag:s25] =	ssyncadd.s32 $0xFFFFF800  }
0x87: {  	_ =	swait.ge [sflag:s26], $0x800  }
0x88: {  	[sflag:s26] =	ssyncset.done $0x0  }
0x89: {  	[sflag:s26] =	ssyncadd.s32 $0xFFFFF800  }
0x8a: {  	_ =	swait.ge [sflag:s28], $0x800  }
0x8b: {  	[sflag:s28] =	ssyncset.done $0x0  }
0x8c: {  	[sflag:s28] =	ssyncadd.s32 $0xFFFFF800  }
0x8d: {  	_ =	swait.ge [sflag:s29], $0x800  }
0x8e: {  	s30 =	sadd.s32 $0x1, s30;
	[sflag:s29] =	ssyncset.done $0x0  }
0x8f: {  	p0 =	sne.s32 s30, s10;
	[sflag:s29] =	ssyncadd.s32 $0xFFFFF800  }
.Ltmp1:
0x90: {  	[bflag:$0x0] =	sbarrier.arrive $0xFFFF;
	(pc) =	sbr.rel @p0 .LBB2_1-.Ltmp1, $4  }
0x91: {  	[hbm:s9], [sflag:s13] =	dma.local [spmem:s14], $0x4F0  }
0x92: {  	_ =	swait.ge [sflag:s11], $0x4F0  }
0x93: {  	[sflag:s11] =	ssyncset.done $0x0  }
0x94: {  	[sflag:s11] =	ssyncadd.s32 $0xFFFFFB10  }
0x95: {  	_ =	sfence.sel $0x180000  }
0x96: {  	[bflag:$0x0] =	sbarrier.arrive $0xFFFF  }
0x97: {  	_ =	strace $0x9000004A  }
0x98: {  	s0 =	stileid.u32;
	[bflag:$0x2] =	sbarrier.arrive $0xFFFF  }
0x99: {  	p0 =	sne.s32 s0, $0x0;
	s0 =	rddreg [dreg:$0x4]  }
0x9a: {  	s0 =	sadd.s32 @!p0 $0x100000, s0  }
0x9b: {  	[sflag:s0] =	ssyncadd.tile.s32 @!p0 $0x1;
	_ =	shalt  }
.Lfunc_end2:
_tile_overlayer_lowered:
.L_overlay_start_2:
0x9c: {  	(tag) =	ssettag $0x2  }
0x9d: {  	s0 =	rddreg [dreg:$0x0];
	s2 =	stileid.u32  }
0x9e: {  	s1 =	rddreg [dreg:$0x1];
	p0 =	sne.s32 s2, $0x0  }
0x9f: {  	s3 =	rddreg [dreg:$0x2];
	[bflag:$0x3] =	sbarrier.arrive $0xFFFF;
	s2 =	simm.s32 @!p0 $0x1C09  }
0xa0: {  	[timem:s3], [sflag:s2] =	dma.local @!p0 [hbm:s0], s1  }
0xa1: {  	s0 =	simm.s32 @!p0 $0x9  }
0xa2: {  	_ =	swait.ge @!p0 [sflag:s0], s1  }
0xa3: {  	s1 =	ssub.s32 @!p0 $0x0, s1;
	[sflag:s0] =	ssyncset.done @!p0 $0x0  }
0xa4: {  	[sflag:s0] =	ssyncadd.s32 @!p0 s1  }
0xa5: {  	[bflag:$0x3] =	sbarrier.arrive $0xFFFF  }
0xa6: {  	_ =	shalt  }

// kernel: kernel.7.cloned.1.call-start
scs
__scs_entry_jumppad:
0x0: {  	(pc) =	sbr.rel $0x88, $3  }
0x1: {  	(tag) =	ssettag $0x0;
	lr =	simm.s32 $0x1  }
0x2: {  	[smem:$0x3F99] =	sst lr;
	_ =	strace $0xD0000000  }
0x3: {  	_ = 	snop  }
0x4: {  	_ = 	snop  }
0x5: {  	_ = 	snop  }
0x6: {  	_ = 	snop  }
0x7: {  	_ = 	snop  }
__scs_overlays_trampoline_lowered:
0x8: {  	[smem:$0x3FA8] =	sst s0  }
0x9: {  	[smem:$0x3FA9] =	sst s1  }
0xa: {  	[smem:$0x3FAA] =	sst s2  }
0xb: {  	[smem:$0x3FAB] =	sst s3  }
0xc: {  	[smem:$0x3FAC] =	sst s4  }
0xd: {  	[smem:$0x3FAD] =	sst s5  }
0xe: {  	[smem:$0x3FAE] =	sst s6  }
0xf: {  	[smem:$0x3FAF] =	sst s7  }
0x10: {  	[smem:$0x3FB0] =	sst s8  }
0x11: {  	[smem:$0x3FB1] =	sst s9;
	s0 =	simm.s32 @!p0 $0x0  }
0x12: {  	s1 =	sld [smem:$0x3F97];
	s0 =	simm.s32 @p0 $0x1  }
0x13: {  	[smem:$0x3FB2] =	sst s0;
	s0 =	simm.s32 @!p1 $0x0  }
0x14: {  	s2 =	sld [smem:$0x3F96];
	s0 =	simm.s32 @p1 $0x1  }
0x15: {  	[smem:$0x3FB3] =	sst s0;
	s0 =	simm.s32 @!p2 $0x0  }
0x16: {  	s3 =	sld [smem:$0x3FDB];
	s0 =	simm.s32 @p2 $0x1  }
0x17: {  	s4 =	simm.s32 $0x1BF5;
	[smem:$0x3FB5] =	sst s0  }
0x18: {  	s0 =	sld [smem:$0x3F98];
	_ =	swait.ge [sflag:s4], $0x0  }
0x19: {  	s7 =	sld [smem:$0x3F99]  }
0x1a: {  	s8 =	sadd.s32 $0xFFFFE003, lr  }
0x1b: {  	s9 =	sadd.s32 $0xFFFFFEF7, lr;
	s5 =	simm.s32 $0xFFFFFFFF;
	p2 =	slt.u32 s8, $0xFFFFF086  }
0x1c: {  	p1 =	slt.u32 s9, $0xF7A;
	s5 =	simm.s32 @!p2 $0x0  }
0x1d: {  	s5 =	simm.s32 @p1 $0x1;
	p0 =	seq.s32 s7, s2  }
0x1e: {  	s7 =	smul.u32 @!p0 $0xF7A, s2;
	p2 =	seq.s32 @!p0 s5, $0x0  }
0x1f: {  	s9 =	smul.u32 $0xF7A, s1;
	s8 =	simm.s32 @!p0 $0x1BF5;
	p2 =	por !p2, p0  }
0x20: {  	[sflag:s8] =	ssyncset.s32 @!p0 $0xFFFFF086;
	s6 =	sadd.s32 @!p0 s3, s7;
	s7 =	simm.s32 @!p0 $0x108  }
0x21: {  	s3 =	sadd.s32 s3, s9;
	s6 =	sadd.s32 @!p0 $0x88, s6;
	s7 =	simm.s32 @p2 $0x1082  }
0x22: {  	[simem:s7], [sflag:s8] =	dma.local @!p0 [hbm:s6], $0xF7A  }
0x23: {  	s9 =	sor.u32 $0xD0000000, s2;
	s6 =	simm.s32 $0x108;
	_ =	swait.ge @!p0 [sflag:s8], $0x0  }
0x24: {  	s3 =	sadd.s32 $0x88, s3;
	s6 =	simm.s32 @!p1 $0x1082;
	[sflag:s4] =	ssyncset.s32 $0xFFFFF086  }
0x25: {  	[simem:s6], [sflag:s4] =	dma.local [hbm:s3], $0xF7A  }
0x26: {  	[smem:$0x3F99] =	sst s1;
	(tag) =	ssettag s2;
	_ =	strace s9  }
0x27: {  	s1 =	sld [smem:$0x3FA9]  }
0x28: {  	s2 =	sld [smem:$0x3FAA]  }
0x29: {  	s4 =	sld [smem:$0x3FAC]  }
0x2a: {  	p0 =	seq.s32 s5, $0x0;
	s5 =	sld [smem:$0x3FAD]  }
0x2b: {  	s6 =	sld [smem:$0x3FAE]  }
0x2c: {  	s7 =	sld [smem:$0x3FAF]  }
0x2d: {  	s3 =	simm.s32 $0x108;
	s8 =	sld [smem:$0x3FB0]  }
0x2e: {  	s3 =	simm.s32 @!p0 $0x1082;
	s9 =	sld [smem:$0x3FB1]  }
0x2f: {  	lr =	sadd.s32 s0, s3;
	s0 =	sld [smem:$0x3FA8]  }
0x30: {  	s3 =	sld [smem:$0x3FAB]  }
0x31: {  	[smem:$0x3FB4] =	sst s10  }
0x32: {  	s10 =	sld [smem:$0x3FB2];
	_ =	sdelay $0x3  }
0x33: {  	p0 =	seq.s32 s10, $0x1;
	s10 =	sld [smem:$0x3FB4];
	_ =	sdelay $0x3  }
0x34: {  	[smem:$0x3FB4] =	sst s10  }
0x35: {  	s10 =	sld [smem:$0x3FB3];
	_ =	sdelay $0x3  }
0x36: {  	p1 =	seq.s32 s10, $0x1;
	s10 =	sld [smem:$0x3FB4];
	_ =	sdelay $0x3  }
0x37: {  	[smem:$0x3FB4] =	sst s10  }
0x38: {  	s10 =	sld [smem:$0x3FB5]  }
0x39: {  	_ = 	snop;
	(pc) =	sbr.ind lr, $3  }
0x3a: {  	_ = 	snop  }
0x3b: {  	_ = 	snop  }
0x3c: {  	p2 =	seq.s32 s10, $0x1;
	s10 =	sld [smem:$0x3FB4]  }
0x3d: {  	_ =	shalt  }
0x3e: {  	_ =	shalt  }
0x3f: {  	_ =	shalt  }
0x40: {  	_ =	shalt  }
0x41: {  	_ =	shalt  }
0x42: {  	_ =	shalt  }
0x43: {  	_ =	shalt  }
0x44: {  	_ =	shalt  }
0x45: {  	_ =	shalt  }
0x46: {  	_ =	shalt  }
0x47: {  	_ =	shalt  }
0x48: {  	_ =	shalt  }
0x49: {  	_ =	shalt  }
0x4a: {  	_ =	shalt  }
0x4b: {  	_ =	shalt  }
0x4c: {  	_ =	shalt  }
0x4d: {  	_ =	shalt  }
0x4e: {  	_ =	shalt  }
0x4f: {  	_ =	shalt  }
0x50: {  	_ =	shalt  }
0x51: {  	_ =	shalt  }
0x52: {  	_ =	shalt  }
0x53: {  	_ =	shalt  }
0x54: {  	_ =	shalt  }
0x55: {  	_ =	shalt  }
0x56: {  	_ =	shalt  }
0x57: {  	_ =	shalt  }
0x58: {  	_ =	shalt  }
0x59: {  	_ =	shalt  }
0x5a: {  	_ =	shalt  }
0x5b: {  	_ =	shalt  }
0x5c: {  	_ =	shalt  }
0x5d: {  	_ =	shalt  }
0x5e: {  	_ =	shalt  }
0x5f: {  	_ =	shalt  }
0x60: {  	_ =	shalt  }
0x61: {  	_ =	shalt  }
0x62: {  	_ =	shalt  }
0x63: {  	_ =	shalt  }
0x64: {  	_ =	shalt  }
0x65: {  	_ =	shalt  }
0x66: {  	_ =	shalt  }
0x67: {  	_ =	shalt  }
0x68: {  	_ =	shalt  }
0x69: {  	_ =	shalt  }
0x6a: {  	_ =	shalt  }
0x6b: {  	_ =	shalt  }
0x6c: {  	_ =	shalt  }
0x6d: {  	_ =	shalt  }
0x6e: {  	_ =	shalt  }
0x6f: {  	_ =	shalt  }
0x70: {  	_ =	shalt  }
0x71: {  	_ =	shalt  }
0x72: {  	_ =	shalt  }
0x73: {  	_ =	shalt  }
0x74: {  	_ =	shalt  }
0x75: {  	_ =	shalt  }
0x76: {  	_ =	shalt  }
0x77: {  	_ =	shalt  }
0x78: {  	_ =	shalt  }
0x79: {  	_ =	shalt  }
0x7a: {  	_ =	shalt  }
0x7b: {  	_ =	shalt  }
0x7c: {  	_ =	shalt  }
0x7d: {  	_ =	shalt  }
0x7e: {  	_ =	shalt  }
0x7f: {  	_ =	shalt  }
0x80: {  	_ =	shalt  }
0x81: {  	_ =	shalt  }
0x82: {  	_ =	shalt  }
0x83: {  	_ =	shalt  }
0x84: {  	_ =	shalt  }
0x85: {  	_ =	shalt  }
0x86: {  	_ =	shalt  }
0x87: {  	_ =	shalt  }
.Lfunc_end0:
.L_simem_size_0:
called_computation_lowered:
.L_overlay_start_0:
0x88: {  	s2 =	sld [smem:$0x3FD9]  }
0x89: {  	s3 =	sld [smem:$0x3FFE];
	_ =	sdelay $0x1  }
0x8a: {  	s1 =	srdreg.scid  }
0x8b: {  	s0 =	sand.u32 $0x1, s1  }
0x8c: {  	s17 =	sshll.u32 s0, $0xA;
	s2 =	sadd.s32 s3, s2  }
0x8d: {  	s2 =	sadd.s32 s2, s17  }
0x8e: {  	[smem:$0x3FC0] =	sst s2  }
0x8f: {  	_ = 	snop  }
0x90: {  	s2 =	sld [smem:$0x3FD0];
	(tm) =	ssettm $0x1  }
0x91: {  	s18 =	sld [smem:$0x3FFB];
	_ =	sdelay $0x3  }
0x92: {  	_ =	strace s18  }
0x93: {  	s3 =	sld [smem:$0x3FFC];
	_ =	sdelay $0x3  }
0x94: {  	_ =	strace s3  }
0x95: {  	s3 =	sld [smem:$0x3FFD];
	_ =	sdelay $0x3  }
0x96: {  	_ =	strace s3  }
0x97: {  	_ =	strace $0x8FFFFFFF  }
0x98: {  	s19 =	sld [smem:$0x3FDB];
	_ =	sdelay $0x1  }
0x99: {  	s4 =	simm.s32 $_scs_section_size  }
0x9a: {  	s5 =	simm.s32 $_size__tile_overlayer_lowered;
	s6 =	simm.s32 $_tile_overlayer_lowered  }
0x9b: {  	s22 =	simm.s32 $0x1BFF;
	s21 =	sshll.u32 s6, $0x1;
	s3 =	sadd.s32 s4, s19  }
0x9c: {  	s7 =	simm.s32 $0x0;
	s20 =	sshll.u32 s5, $0x1;
	s5 =	sadd.s32 s21, s3  }
0x9d: {  	[timem:s7], [sflag:s22] =	dma.local [hbm:s5], s20  }
0x9e: {  	_ =	swait.ge [sflag:s22], s20  }
0x9f: {  	s4 =	ssub.s32 $0x0, s20;
	[sflag:s22] =	ssyncset.done $0x0  }
0xa0: {  	[sflag:s22] =	ssyncadd.s32 s4;
	_ =	sdelay $0x1  }
0xa1: {  	s23 =	simm.s32 $0x1B8B  }
0xa2: {  	_ =	swait.ge [sflag:s23], $0x1  }
0xa3: {  	[sflag:s23] =	ssyncset.done $0x0  }
0xa4: {  	s25 =	simm.s32 $0x1B8E;
	s24 =	sld [smem:$0x3FFE];
	[sflag:s23] =	ssyncadd.s32 $0xFFFFFFFF  }
0xa5: {  	s26 =	simm.s32 $execute0_lowered;
	[smem:$0x3FD2] =	sst s25  }
0xa6: {  	s5 =	sshll.u32 s26, $0x1;
	_ =	strace $0x80000046;
	[dreg:$0x1] =	wrdreg $0xFFFFFFFF  }
0xa7: {  	s28 =	simm.s32 $_size_execute0_lowered;
	s3 =	sadd.s32 s3, s5;
	[dreg:$0x0] =	wrdreg $0x0  }
0xa8: {  	s5 =	sshll.u32 s28, $0x1;
	[dreg:$0x2] =	wrdreg s3  }
0xa9: {  	[dreg:$0x3] =	wrdreg s5  }
0xaa: {  	[dreg:$0x4] =	wrdreg $0xC0  }
0xab: {  	_ =	task [dreg:s7], $0x5FFFF  }
0xac: {  	[dreg:$0x1] =	wrdreg $0xFFFFFFFF  }
0xad: {  	[dreg:$0x0] =	wrdreg $0x60  }
0xae: {  	[dreg:$0x2] =	wrdreg s24  }
0xaf: {  	[dreg:$0x3] =	wrdreg s2  }
0xb0: {  	[dreg:$0x4] =	wrdreg $0x97800  }
0xb1: {  	[dreg:$0x5] =	wrdreg $0xBF000  }
0xb2: {  	[dreg:$0x6] =	wrdreg $0x9  }
0xb3: {  	_ =	task.clear_ibuf [dreg:s7], $0x7FFFF;
	_ =	strace $0x90000046  }
0xb4: {  	s29 =	simm.s32 $0x9;
	_ =	strace $0x80000048  }
0xb5: {  	_ =	swait.ge [sflag:s29], $0x1  }
0xb6: {  	[sflag:s29] =	ssyncadd.s32 $0xFFFFFFFF  }
0xb7: {  	_ =	strace $0x90000048  }
0xb8: {  	_ =	sfence  }
0xb9: {  	s30 =	sld [smem:$0x0];
	_ =	sdelay $0x2  }
0xba: {  	s31 =	sshll.u32 s1, $0xD;
	s1 =	sshrl.u32 s1, $0x2  }
0xbb: {  	s3 =	sand.u32 $0x4000, s31;
	s1 =	sadd.s32 s1, s30  }
0xbc: {  	s0 =	sor.u32 s3, s0;
	s1 =	sshll.u32 s1, $0x11  }
0xbd: {  	s0 =	sor.u32 s1, s0  }
0xbe: {  	s0 =	sadd.s32 $0x8F2B, s0  }
0xbf: {  	[sflag:s0] =	ssyncadd.remote.s32 $0x1  }
0xc0: {  	_ =	sfence.sel $0xFFFF  }
0xc1: {  	[dreg:$0x0] =	wrdreg $0xFFFFFFFF;
	(pc) =	sbr.abs _section_cstart, $3  }
0xc2: {  	[dreg:$0x1] =	wrdreg $0xFFFFFFFF  }
0xc3: {  	_ =	task.clear_ibuf [dreg:s7], $0x2FFFF;
	_ =	strace $0x9FFFFFFF  }
0xc4: {  	(tm) =	ssettm $0x7FFFFFFF  }
0xc5: {  	_ =	shalt  }
tec
execute0_lowered:
.L_overlay_start_1:
0x0: {  	(tag) =	ssettag $0x1  }
0x1: {  	s0 =	rddreg [dreg:$0x0]  }
0x2: {  	s1 =	srdreg.scid;
	s6 =	rddreg [dreg:$0x1]  }
0x3: {  	s2 =	rddreg [dreg:$0x2];
	s15 =	stileid.u32  }
0x4: {  	s3 =	rddreg [dreg:$0x3];
	s19 =	simm.s32 $0x80;
	s20 =	simm.s32 $0x5000  }
0x5: {  	s21 =	simm.s32 $0x5800;
	s28 =	simm.s32 $0x4;
	s29 =	simm.s32 $0x5  }
0x6: {  	s30 =	simm.s32 $0x6;
	s31 =	simm.s32 $0x7;
	s1 =	sand.u32 $0x1, s1  }
0x7: {  	s9 =	smul.u32 $0x2780, s15;
	s22 =	sadd.s32 $0x10400, s0;
	s26 =	sshll.u32 s15, $0x6  }
0x8: {  	s4 =	sshll.u32 s1, $0x4;
	s10 =	smul.u32 $0x27800, s1;
	s1 =	ssub.s32 $0x2, s1  }
0x9: {  	s16 =	sor.u32 $0x1C09, s26;
	s26 =	simm.s32 $0x3;
	s5 =	sor.u32 s15, s4  }
0xa: {  	s4 =	simm.s32 $0x0;
	s8 =	sshrl.u32 s9, $0x3;
	s14 =	sshrl.u32 s1, $0x1  }
0xb: {  	s24 =	sadd.s32 s9, s2;
	s25 =	sadd.s32 s9, s3;
	s15 =	simm.s32 $0x7000  }
0xc: {  	s7 =	smul.u32 $0x500, s5;
	[smem:$0x7FF] =	sst s4;
	s11 =	sadd.s32 s8, s0  }
0xd: {  	s10 =	sadd.s32 s9, s10;
	s13 =	smul.u32 $0x4F0, s5;
	s1 =	ssub.s32 s1, s14  }
0xe: {  	s8 =	sadd.s32 s22, s8;
	s17 =	sshrl.u32 s24, $0x3;
	s18 =	sshrl.u32 s25, $0x3  }
0xf: {  	s24 =	simm.s32 $0x1;
	s25 =	simm.s32 $0x2;
	_ =	strace $0x80000047  }
0x10: {  	s10 =	sshrl.u32 s10, $0x3;
	s9 =	sadd.s32 $0x1400, s11;
	s12 =	sadd.s32 s7, s0  }
0x11: {  	s10 =	sadd.s32 s10, s0;
	s0 =	sadd.s32 s13, s0;
	s6 =	sadd.s32 s6, s7  }
0x12: {  	s7 =	smov.u32 s22;
	s13 =	simm.s32 $0x9;
	s22 =	simm.s32 $0x6000  }
0x13: {  	[dreg:$0x5] =	wrdreg s6;
	s23 =	sadd.s32 $0x6400, s12;
	s10 =	sadd.s32 $0x1F200, s10  }
0x14: {  	s11 =	sadd.s32 $0x15400, s0;
	s12 =	smax.u32 s1, $0x1;
	s1 =	simm.s32 $0x8  }
0x15: {  	v0 =	vimm.f32 $1.000000000e+00;
	s0 =	simm.s32 $0x0;
	[dreg:$0x6] =	wrdreg s23;
	s23 =	simm.s32 $0x6800  }
.LBB2_1:
0x16: {  	s5 =	rddreg [dreg:$0x5]  }
0x17: {  	[tilespmem:s4], [sflag:$0x9] =	stream.linear.gather [hbm4b:s5+s4], $0x2800, $0x38;
	[tilespmem:$0xE680] =	vst v63  }
0x18: {  	_ =	swait.ge [sflag:s13], $0x2800  }
0x19: {  	[sflag:s13] =	ssyncset.done $0x0  }
0x1a: {  	s6 =	simm.s32 $0x2800;
	s14 =	rddreg [dreg:$0x6];
	[sflag:s13] =	ssyncadd.s32 $0xFFFFD800  }
0x1b: {  	[tilespmem:s6], [sflag:$0x9] =	stream.linear.gather [hbm4b:s14+s4], $0x2800, $0x38;
	[tilespmem:$0xE680] =	vst v63  }
0x1c: {  	_ =	swait.ge [sflag:s13], $0x2800  }
0x1d: {  	[sflag:s13] =	ssyncset.done $0x0  }
0x1e: {  	[sflag:s13] =	ssyncadd.s32 $0xFFFFD800  }
0x1f: {  	[tilespmem:s15], [sflag:$0x9] =	stream.linear.gather [hbm4b:s7+s4], $0x2780, $0x38;
	[tilespmem:$0xE680] =	vst v63  }
0x20: {  	_ =	swait.ge [sflag:s13], $0x2780  }
0x21: {  	[sflag:s13] =	ssyncset.done $0x0  }
0x22: {  	[sflag:s13] =	ssyncadd.s32 $0xFFFFD880  }
0x23: {  	[spmem:s17], [sflag:s16] =	dma.local [hbm:s8], $0x4F0  }
0x24: {  	_ =	swait.ge [sflag:s13], $0x4F0  }
0x25: {  	[sflag:s13] =	ssyncset.done $0x0  }
0x26: {  	[sflag:s13] =	ssyncadd.s32 $0xFFFFFB10  }
0x27: {  	[spmem:s18], [sflag:s16] =	dma.local [hbm:s9], $0x4F0  }
0x28: {  	_ =	swait.ge [sflag:s13], $0x4F0  }
0x29: {  	[sflag:s13] =	ssyncset.done $0x0  }
0x2a: {  	[sflag:s13] =	ssyncadd.s32 $0xFFFFFB10  }
0x2b: {  	s14 =	simm.s32 $0x0;
	[bflag:$0x0] =	sbarrier.arrive $0xFFFF  }
.LBB2_2:
0x2c: {  	s6 =	sshra.s32 s14, $0x2  }
0x2d: {  	[tilespmem:s20], [sflag:$0x1] =	stream.indirect.gather [spmem:s3], $0x10, s6, s19, $0xb8;
	[tilespmem:$0xE680] =	vst v63  }
0x2e: {  	s5 =	sadd.s32 $0x80, s6  }
0x2f: {  	[tilespmem:s21], [sflag:$0x2] =	stream.indirect.gather [spmem:s3], $0x10, s5, s19, $0xb8;
	[tilespmem:$0xE680] =	vst v63  }
0x30: {  	s5 =	sadd.s32 $0x100, s6  }
0x31: {  	[tilespmem:s22], [sflag:$0x3] =	stream.indirect.gather [spmem:s3], $0x10, s5, s19, $0xb8;
	[tilespmem:$0xE680] =	vst v63  }
0x32: {  	s5 =	sadd.s32 $0x180, s6  }
0x33: {  	[tilespmem:s23], [sflag:$0x4] =	stream.indirect.gather [spmem:s3], $0x10, s5, s19, $0xb8;
	[tilespmem:$0xE680] =	vst v63  }
0x34: {  	_ =	swait.ge [sflag:s24], $0x800  }
0x35: {  	[sflag:s24] =	ssyncset.done $0x0  }
0x36: {  	s5 =	sadd.s32 $0x2800, s6;
	[sflag:s24] =	ssyncadd.s32 $0xFFFFF800  }
0x37: {  	[spmem:s2] =	stream.indirect.scatter.add.f32 [tilespmem:s20], [sflag:$0x5], $0x10, s5, s19, $0xb8;
	[tilespmem:$0xE680] =	vst v63  }
0x38: {  	v1 =	vld [tilespmem:s6+$0x2800];
	_ =	sdelay $0x7  }
0x39: {  	[tilespmem:v1+s15+$0x0] =	vst.idx.add.f32.msk $0xffff, v0  }
0x3a: {  	v1 =	vld [tilespmem:s6+$0x2810];
	_ =	sdelay $0x7  }
0x3b: {  	[tilespmem:v1+s15+$0x0] =	vst.idx.add.f32.msk $0xffff, v0  }
0x3c: {  	v1 =	vld [tilespmem:s6+$0x2820];
	_ =	sdelay $0x7  }
0x3d: {  	[tilespmem:v1+s15+$0x0] =	vst.idx.add.f32.msk $0xffff, v0  }
0x3e: {  	v1 =	vld [tilespmem:s6+$0x2830];
	_ =	sdelay $0x7  }
0x3f: {  	[tilespmem:v1+s15+$0x0] =	vst.idx.add.f32.msk $0xffff, v0  }
0x40: {  	v1 =	vld [tilespmem:s6+$0x2840];
	_ =	sdelay $0x7  }
0x41: {  	[tilespmem:v1+s15+$0x0] =	vst.idx.add.f32.msk $0xffff, v0  }
0x42: {  	v1 =	vld [tilespmem:s6+$0x2850];
	_ =	sdelay $0x7  }
0x43: {  	[tilespmem:v1+s15+$0x0] =	vst.idx.add.f32.msk $0xffff, v0  }
0x44: {  	v1 =	vld [tilespmem:s6+$0x2860];
	_ =	sdelay $0x7  }
0x45: {  	[tilespmem:v1+s15+$0x0] =	vst.idx.add.f32.msk $0xffff, v0  }
0x46: {  	v1 =	vld [tilespmem:s6+$0x2870];
	_ =	sdelay $0x7  }
0x47: {  	[tilespmem:v1+s15+$0x0] =	vst.idx.add.f32.msk $0xffff, v0  }
0x48: {  	_ =	swait.ge [sflag:s25], $0x800  }
0x49: {  	[sflag:s25] =	ssyncset.done $0x0  }
0x4a: {  	s5 =	sadd.s32 $0x2880, s6;
	[sflag:s25] =	ssyncadd.s32 $0xFFFFF800  }
0x4b: {  	[spmem:s2] =	stream.indirect.scatter.add.f32 [tilespmem:s21], [sflag:$0x6], $0x10, s5, s19, $0xb8;
	[tilespmem:$0xE680] =	vst v63  }
0x4c: {  	v1 =	vld [tilespmem:s6+$0x2880];
	_ =	sdelay $0x7  }
0x4d: {  	[tilespmem:v1+s15+$0x0] =	vst.idx.add.f32.msk $0xffff, v0  }
0x4e: {  	v1 =	vld [tilespmem:s6+$0x2890];
	_ =	sdelay $0x7  }
0x4f: {  	[tilespmem:v1+s15+$0x0] =	vst.idx.add.f32.msk $0xffff, v0  }
0x50: {  	v1 =	vld [tilespmem:s6+$0x28A0];
	_ =	sdelay $0x7  }
0x51: {  	[tilespmem:v1+s15+$0x0] =	vst.idx.add.f32.msk $0xffff, v0  }
0x52: {  	v1 =	vld [tilespmem:s6+$0x28B0];
	_ =	sdelay $0x7  }
0x53: {  	[tilespmem:v1+s15+$0x0] =	vst.idx.add.f32.msk $0xffff, v0  }
0x54: {  	v1 =	vld [tilespmem:s6+$0x28C0];
	_ =	sdelay $0x7  }
0x55: {  	[tilespmem:v1+s15+$0x0] =	vst.idx.add.f32.msk $0xffff, v0  }
0x56: {  	v1 =	vld [tilespmem:s6+$0x28D0];
	_ =	sdelay $0x7  }
0x57: {  	[tilespmem:v1+s15+$0x0] =	vst.idx.add.f32.msk $0xffff, v0  }
0x58: {  	v1 =	vld [tilespmem:s6+$0x28E0];
	_ =	sdelay $0x7  }
0x59: {  	[tilespmem:v1+s15+$0x0] =	vst.idx.add.f32.msk $0xffff, v0  }
0x5a: {  	v1 =	vld [tilespmem:s6+$0x28F0];
	_ =	sdelay $0x7  }
0x5b: {  	[tilespmem:v1+s15+$0x0] =	vst.idx.add.f32.msk $0xffff, v0  }
0x5c: {  	_ =	swait.ge [sflag:s26], $0x800  }
0x5d: {  	[sflag:s26] =	ssyncset.done $0x0  }
0x5e: {  	s5 =	sadd.s32 $0x2900, s6;
	[sflag:s26] =	ssyncadd.s32 $0xFFFFF800  }
0x5f: {  	[spmem:s2] =	stream.indirect.scatter.add.f32 [tilespmem:s22], [sflag:$0x7], $0x10, s5, s19, $0xb8;
	[tilespmem:$0xE680] =	vst v63  }
0x60: {  	v1 =	vld [tilespmem:s6+$0x2900];
	_ =	sdelay $0x7  }
0x61: {  	[tilespmem:v1+s15+$0x0] =	vst.idx.add.f32.msk $0xffff, v0  }
0x62: {  	v1 =	vld [tilespmem:s6+$0x2910];
	_ =	sdelay $0x7  }
0x63: {  	[tilespmem:v1+s15+$0x0] =	vst.idx.add.f32.msk $0xffff, v0  }
0x64: {  	v1 =	vld [tilespmem:s6+$0x2920];
	_ =	sdelay $0x7  }
0x65: {  	[tilespmem:v1+s15+$0x0] =	vst.idx.add.f32.msk $0xffff, v0  }
0x66: {  	v1 =	vld [tilespmem:s6+$0x2930];
	_ =	sdelay $0x7  }
0x67: {  	[tilespmem:v1+s15+$0x0] =	vst.idx.add.f32.msk $0xffff, v0  }
0x68: {  	v1 =	vld [tilespmem:s6+$0x2940];
	_ =	sdelay $0x7  }
0x69: {  	[tilespmem:v1+s15+$0x0] =	vst.idx.add.f32.msk $0xffff, v0  }
0x6a: {  	v1 =	vld [tilespmem:s6+$0x2950];
	_ =	sdelay $0x7  }
0x6b: {  	[tilespmem:v1+s15+$0x0] =	vst.idx.add.f32.msk $0xffff, v0  }
0x6c: {  	v1 =	vld [tilespmem:s6+$0x2960];
	_ =	sdelay $0x7  }
0x6d: {  	[tilespmem:v1+s15+$0x0] =	vst.idx.add.f32.msk $0xffff, v0  }
0x6e: {  	v1 =	vld [tilespmem:s6+$0x2970];
	_ =	sdelay $0x7  }
0x6f: {  	[tilespmem:v1+s15+$0x0] =	vst.idx.add.f32.msk $0xffff, v0  }
0x70: {  	_ =	swait.ge [sflag:s28], $0x800  }
0x71: {  	[sflag:s28] =	ssyncset.done $0x0  }
0x72: {  	s5 =	sadd.s32 $0x2980, s6;
	[sflag:s28] =	ssyncadd.s32 $0xFFFFF800  }
0x73: {  	[spmem:s2] =	stream.indirect.scatter.add.f32 [tilespmem:s23], [sflag:$0x8], $0x10, s5, s19, $0xb8;
	[tilespmem:$0xE680] =	vst v63  }
0x74: {  	v1 =	vld [tilespmem:s6+$0x2980];
	_ =	sdelay $0x7  }
0x75: {  	[tilespmem:v1+s15+$0x0] =	vst.idx.add.f32.msk $0xffff, v0  }
0x76: {  	v1 =	vld [tilespmem:s6+$0x2990];
	_ =	sdelay $0x7  }
0x77: {  	[tilespmem:v1+s15+$0x0] =	vst.idx.add.f32.msk $0xffff, v0  }
0x78: {  	v1 =	vld [tilespmem:s6+$0x29A0];
	_ =	sdelay $0x7  }
0x79: {  	[tilespmem:v1+s15+$0x0] =	vst.idx.add.f32.msk $0xffff, v0  }
0x7a: {  	v1 =	vld [tilespmem:s6+$0x29B0];
	_ =	sdelay $0x7  }
0x7b: {  	[tilespmem:v1+s15+$0x0] =	vst.idx.add.f32.msk $0xffff, v0  }
0x7c: {  	v1 =	vld [tilespmem:s6+$0x29C0];
	_ =	sdelay $0x7  }
0x7d: {  	[tilespmem:v1+s15+$0x0] =	vst.idx.add.f32.msk $0xffff, v0  }
0x7e: {  	v1 =	vld [tilespmem:s6+$0x29D0];
	_ =	sdelay $0x7  }
0x7f: {  	[tilespmem:v1+s15+$0x0] =	vst.idx.add.f32.msk $0xffff, v0  }
0x80: {  	v1 =	vld [tilespmem:s6+$0x29E0];
	_ =	sdelay $0x7  }
0x81: {  	[tilespmem:v1+s15+$0x0] =	vst.idx.add.f32.msk $0xffff, v0  }
0x82: {  	v1 =	vld [tilespmem:s6+$0x29F0];
	_ =	sdelay $0x7  }
0x83: {  	[tilespmem:v1+s15+$0x0] =	vst.idx.add.f32.msk $0xffff, v0  }
0x84: {  	_ =	swait.ge [sflag:s29], $0x800  }
0x85: {  	[sflag:s29] =	ssyncset.done $0x0  }
0x86: {  	[sflag:s29] =	ssyncadd.s32 $0xFFFFF800  }
0x87: {  	_ =	swait.ge [sflag:s30], $0x800  }
0x88: {  	[sflag:s30] =	ssyncset.done $0x0  }
0x89: {  	[sflag:s30] =	ssyncadd.s32 $0xFFFFF800  }
0x8a: {  	p0 =	sne.s32 s14, $0x9800;
	_ =	swait.ge [sflag:s31], $0x800  }
.Ltmp0:
0x8b: {  	[sflag:s31] =	ssyncset.done $0x0;
	(pc) =	sbr.rel @p0 .LBB2_2-.Ltmp0, $4  }
0x8c: {  	[sflag:s31] =	ssyncadd.s32 $0xFFFFF800  }
0x8d: {  	_ =	swait.ge [sflag:s1], $0x800  }
0x8e: {  	[sflag:s1] =	ssyncset.done $0x0  }
0x8f: {  	s14 =	sadd.s32 $0x800, s14;
	[sflag:s1] =	ssyncadd.s32 $0xFFFFF800  }
0x90: {  	[bflag:$0x0] =	sbarrier.arrive $0xFFFF  }
0x91: {  	[hbm:s10], [sflag:s16] =	dma.local [spmem:s17], $0x4F0  }
0x92: {  	s0 =	sadd.s32 $0x1, s0;
	_ =	swait.ge [sflag:s13], $0x4F0  }
0x93: {  	p0 =	sne.s32 s0, s12;
	[sflag:s13] =	ssyncset.done $0x0  }
.Ltmp1:
0x94: {  	[sflag:s13] =	ssyncadd.s32 $0xFFFFFB10;
	(pc) =	sbr.rel @p0 .LBB2_1-.Ltmp1, $4  }
0x95: {  	[hbm4b:s11+s4] =	stream.linear.scatter [tilespmem:s15], [sflag:$0x9], $0x2780, $0x38;
	[tilespmem:$0xE680] =	vst v63  }
0x96: {  	_ =	swait.ge [sflag:s13], $0x2780  }
0x97: {  	[sflag:s13] =	ssyncset.done $0x0  }
0x98: {  	[sflag:s13] =	ssyncadd.s32 $0xFFFFD880  }
0x99: {  	_ =	sfence.sel $0x180000  }
0x9a: {  	[bflag:$0x0] =	sbarrier.arrive $0xFFFF  }
0x9b: {  	_ =	strace $0x90000047  }
0x9c: {  	s0 =	stileid.u32;
	[bflag:$0x2] =	sbarrier.arrive $0xFFFF  }
0x9d: {  	p0 =	sne.s32 s0, $0x0;
	s0 =	rddreg [dreg:$0x4]  }
0x9e: {  	s0 =	sadd.s32 @!p0 $0x100000, s0  }
0x9f: {  	[sflag:s0] =	ssyncadd.tile.s32 @!p0 $0x1;
	_ =	shalt  }
.Lfunc_end2:
_tile_overlayer_lowered:
.L_overlay_start_2:
0xa0: {  	(tag) =	ssettag $0x2  }
0xa1: {  	s0 =	rddreg [dreg:$0x0];
	s2 =	stileid.u32  }
0xa2: {  	s1 =	rddreg [dreg:$0x1];
	p0 =	sne.s32 s2, $0x0  }
0xa3: {  	s3 =	rddreg [dreg:$0x2];
	[bflag:$0x3] =	sbarrier.arrive $0xFFFF;
	s2 =	simm.s32 @!p0 $0x1C09  }
0xa4: {  	[timem:s3], [sflag:s2] =	dma.local @!p0 [hbm:s0], s1  }
0xa5: {  	s0 =	simm.s32 @!p0 $0x9  }
0xa6: {  	_ =	swait.ge @!p0 [sflag:s0], s1  }
0xa7: {  	s1 =	ssub.s32 @!p0 $0x0, s1;
	[sflag:s0] =	ssyncset.done @!p0 $0x0  }
0xa8: {  	[sflag:s0] =	ssyncadd.s32 @!p0 s1  }
0xa9: {  	[bflag:$0x3] =	sbarrier.arrive $0xFFFF  }
0xaa: {  	_ =	shalt  }

</sc_bundles>
